<compile_context>
chip_gen: v7x
topology: tpu7x:2x2x1
jax: 0.10.2.dev20260603
libtpu: 0.0.44.dev20260713+nightly
codegen_flags: <defaults>
</compile_context>

<pallas_src>
import functools

import jax
import jax.numpy as jnp
from jax import lax
from jax.experimental import pallas as pl
from jax.experimental.pallas import tpu as pltpu
from jax.experimental.pallas import tpu_sc as plsc

B, C, T, V, Q, H = 4, 64, 1024, 8192, 256, 8
DH = C // H
VB = 2048
NV = V // VB
P_POOL = B * Q
P_FULL = B * T
P = P_POOL + P_FULL
EPS = 1e-5
FBIG = 1e9

NC, NS = 2, 16
NW = NC * NS
BPW = P_POOL // NW
FPW = P_FULL // NW
SPW = V // NS


def _rms_cols(x, g_col):
    pieces = []
    for h in range(H):
        xh = x[h * DH:(h + 1) * DH, :]
        ss = jnp.sum(xh * xh, axis=0, keepdims=True)
        inv = lax.rsqrt(ss * (1.0 / DH) + EPS)
        pieces.append(jnp.broadcast_to(inv, xh.shape))
    return x * jnp.concatenate(pieces, axis=0) * g_col


def _expand_head_rows(c):
    return jnp.concatenate(
        [jnp.broadcast_to(c[h:h + 1, :], (DH, c.shape[1])) for h in range(H)],
        axis=0)


def _interp_matrix():
    t = lax.broadcasted_iota(jnp.int32, (Q, T), 1).astype(jnp.float32)
    s = lax.broadcasted_iota(jnp.int32, (Q, T), 0).astype(jnp.float32)
    src = jnp.clip((t + 0.5) * (Q / T) - 0.5, 0.0, Q - 1.0)
    i0 = jnp.floor(src)
    w = src - i0
    i1 = jnp.minimum(i0 + 1.0, Q - 1.0)
    return (s == i0) * (1.0 - w) + (s == i1) * w


def _argmax_kernel(z_btc, cb_blk, WqT, bq, WkT, bk, WvT, bv, WpT, bp, gq_col,
                   gk_col, idx_out, value_out, wqT_s, best_s, bidx_s):
    i = pl.program_id(0)

    @pl.when(i == 0)
    def _prep_queries():
        z4 = z_btc[...].reshape(B, Q, T // Q, C)
        pooled = ((z4[:, :, 0, :] + z4[:, :, 1, :]) + z4[:, :, 2, :]
                  + z4[:, :, 3, :]) * (Q / T)
        hs = jnp.concatenate(
            [pooled.reshape(P_POOL, C), z_btc[...].reshape(P_FULL, C)], axis=0)
        qv = jnp.dot(hs, WqT[...], preferred_element_type=jnp.float32) + bq[...]
        c = jnp.dot(hs, WpT[...], preferred_element_type=jnp.float32) + bp[...]
        qvrT = _rms_cols(jnp.transpose(qv, (1, 0)), gq_col[...])
        wqT_s[...] = _expand_head_rows(jnp.transpose(c, (1, 0))) * qvrT

    kk = jnp.dot(cb_blk[...], WkT[...],
                 preferred_element_type=jnp.float32) + bk[...]
    kvfT = _rms_cols(jnp.transpose(kk, (1, 0)), gk_col[...])
    logits = lax.dot_general(kvfT, wqT_s[...], (((0,), (0,)), ((), ())),
                             preferred_element_type=jnp.float32)
    tmax = jnp.max(logits, axis=0, keepdims=True)
    riota = lax.broadcasted_iota(jnp.int32, (VB, P), 0).astype(jnp.float32)
    cand = jnp.where(logits == jnp.broadcast_to(tmax, (VB, P)), riota, FBIG)
    targ = jnp.min(cand, axis=0, keepdims=True) + (i * VB).astype(jnp.float32)

    @pl.when(i == 0)
    def _():
        best_s[...] = tmax
        bidx_s[...] = targ

    @pl.when(i > 0)
    def _():
        upd = tmax > best_s[...]
        best_s[...] = jnp.where(upd, tmax, best_s[...])
        bidx_s[...] = jnp.where(upd, targ, bidx_s[...])

    val = jnp.dot(cb_blk[...], WvT[...],
                  preferred_element_type=jnp.float32) + bv[...]
    value_out[...] = jnp.concatenate(
        [val, jnp.zeros((VB, 128 - C), jnp.float32)], axis=1)

    @pl.when(i == NV - 1)
    def _():
        idx_out[...] = bidx_s[...].astype(jnp.int32)


def _sc_gather_bincount(value_hbm, idxp_hbm, idxf_hbm, zq_hbm, counts_hbm,
                        idxp_v, rows_v, idxf_v, ones_v, zslice_v, counts_sh,
                        sem):
    cid = lax.axis_index("c")
    sid = lax.axis_index("s")
    wid = sid * NC + cid
    pltpu.sync_copy(idxp_hbm.at[pl.ds(wid * BPW, BPW)], idxp_v)
    pltpu.async_copy(value_hbm.at[idxp_v], rows_v, sem).wait()
    pltpu.sync_copy(rows_v, zq_hbm.at[pl.ds(wid * BPW, BPW)])
    @pl.loop(0, SPW // 16)
    def _zero(k):
        zslice_v[pl.ds(k * 16, 16)] = jnp.zeros((16,), jnp.float32)

    @pl.loop(0, FPW // 16)
    def _ones(k):
        ones_v[pl.ds(k * 16, 16)] = jnp.full((16,), 1.0, jnp.float32)

    pltpu.sync_copy(zslice_v, counts_sh.at[pl.ds(sid * SPW, SPW)])
    plsc.subcore_barrier()
    pltpu.sync_copy(idxf_hbm.at[pl.ds(wid * FPW, FPW)], idxf_v)
    pltpu.sync_copy(ones_v, counts_sh.at[idxf_v], add=True)
    plsc.subcore_barrier()
    pltpu.sync_copy(counts_sh.at[pl.ds(sid * SPW, SPW)], zslice_v)
    pltpu.sync_copy(zslice_v, counts_hbm.at[cid, pl.ds(sid * SPW, SPW)])


def _finish_kernel(zq, counts2, zhat_out, perp_out):
    zqT = jnp.transpose(zq[:, 0:C], (1, 0))
    M = _interp_matrix()
    for b in range(B):
        zhat_out[b, :, :] = jnp.dot(zqT[:, b * Q:(b + 1) * Q], M,
                                    preferred_element_type=jnp.float32)
    counts = (counts2[0:1, :] + counts2[1:2, :]).reshape(V // 128, 128)
    p = counts * (1.0 / P_FULL)
    plog = jnp.sum(p * jnp.log(p + 1e-7), axis=(0, 1), keepdims=True)
    perp_out[...] = jnp.exp(-plog)


@functools.partial(jax.jit, static_argnames=())
def _run(z, codebook, Wq, bq, Wk, bk, Wv, bv, Wp, bp, gq, gk):
    z_btc = jnp.transpose(z, (0, 2, 1))
    idx, value = pl.pallas_call(
        _argmax_kernel,
        grid=(NV,),
        in_specs=[
            pl.BlockSpec((B, T, C), lambda i: (0, 0, 0)),
            pl.BlockSpec((VB, C), lambda i: (i, 0)),
            pl.BlockSpec((C, C), lambda i: (0, 0)),
            pl.BlockSpec((1, C), lambda i: (0, 0)),
            pl.BlockSpec((C, C), lambda i: (0, 0)),
            pl.BlockSpec((1, C), lambda i: (0, 0)),
            pl.BlockSpec((C, C), lambda i: (0, 0)),
            pl.BlockSpec((1, C), lambda i: (0, 0)),
            pl.BlockSpec((C, H), lambda i: (0, 0)),
            pl.BlockSpec((1, H), lambda i: (0, 0)),
            pl.BlockSpec((C, 1), lambda i: (0, 0)),
            pl.BlockSpec((C, 1), lambda i: (0, 0)),
        ],
        out_specs=[
            pl.BlockSpec((1, P), lambda i: (0, 0)),
            pl.BlockSpec((VB, 128), lambda i: (i, 0)),
        ],
        out_shape=[
            jax.ShapeDtypeStruct((1, P), jnp.int32),
            jax.ShapeDtypeStruct((V, 128), jnp.float32),
        ],
        scratch_shapes=[
            pltpu.VMEM((C, P), jnp.float32),
            pltpu.VMEM((1, P), jnp.float32),
            pltpu.VMEM((1, P), jnp.float32),
        ],
    )(z_btc, codebook, Wq.T, bq.reshape(1, C), Wk.T, bk.reshape(1, C), Wv.T,
      bv.reshape(1, C), Wp.T, bp.reshape(1, H),
      jnp.tile(gq, H).reshape(C, 1), jnp.tile(gk, H).reshape(C, 1))

    idx_flat = idx.reshape(P)
    idxp = idx_flat[:P_POOL]
    idxf = idx_flat[P_POOL:]

    mesh = plsc.VectorSubcoreMesh(core_axis_name="c", subcore_axis_name="s")
    zq, counts2 = pl.kernel(
        _sc_gather_bincount,
        mesh=mesh,
        out_type=[
            jax.ShapeDtypeStruct((P_POOL, 128), jnp.float32),
            jax.ShapeDtypeStruct((NC, V), jnp.float32),
        ],
        scratch_types=[
            pltpu.VMEM((BPW,), jnp.int32),
            pltpu.VMEM((BPW, 128), jnp.float32),
            pltpu.VMEM((FPW,), jnp.int32),
            pltpu.VMEM((FPW,), jnp.float32),
            pltpu.VMEM((SPW,), jnp.float32),
            pltpu.VMEM_SHARED((V,), jnp.float32),
            pltpu.SemaphoreType.DMA,
        ],
    )(value, idxp, idxf)

    zhat, perp = pl.pallas_call(
        _finish_kernel,
        grid=(1,),
        in_specs=[
            pl.BlockSpec((P_POOL, 128), lambda i: (0, 0)),
            pl.BlockSpec((NC, V), lambda i: (0, 0)),
        ],
        out_specs=[
            pl.BlockSpec((B, C, T), lambda i: (0, 0, 0)),
            pl.BlockSpec((1, 1), lambda i: (0, 0)),
        ],
        out_shape=[
            jax.ShapeDtypeStruct((B, C, T), jnp.float32),
            jax.ShapeDtypeStruct((1, 1), jnp.float32),
        ],
    )(zq, counts2)
    return zhat, perp[0, 0]


def kernel(z, q, codebook, Wq, bq, Wk, bk, Wv, bv, Wp, bp, gq, gk):
    del q
    return _run(z, codebook, Wq, bq, Wk, bk, Wv, bv, Wp, bp, gq, gk)

# --- scband reference (transcript-rebuilt; emitter-appended) ---
"""Pipeline reference for scband-quantize-interpolated-emareset-attention-63866163692088 (READ-ONLY COPY).

The authoritative reference and input builder live on the scoring server;
editing this copy changes nothing except your own understanding.
"""

import math
import jax, jax.numpy as jnp
import numpy as np

H = 8
EPS = 1e-5

def _rms(x, g):
    return x * jax.lax.rsqrt(jnp.mean(x * x, axis=-1, keepdims=True) + EPS) * g

def _attn_logits(hs_bct, codebook, Wq, bq, Wk, bk, Wp, bp, gq, gk):
    B, C, T = hs_bct.shape
    dh = C // H
    hs = jnp.transpose(hs_bct, (0, 2, 1))  # [B, T, C]
    qv = (hs @ Wq.T + bq).reshape(B, T, H, dh).transpose(0, 2, 1, 3)  # [B, H, T, dh]
    kv = (codebook @ Wk.T + bk).reshape(-1, H, dh).transpose(1, 0, 2)  # [H, V, dh]
    c = hs @ Wp.T + bp  # [B, T, H]
    qv = _rms(qv, gq)
    kv = _rms(kv, gk)
    scale = 1.0 / math.sqrt(dh)
    logits = jnp.einsum('bth,bhtd,hnd->bnt', c, qv, kv) * scale / math.sqrt(H)
    return logits

def _linear_interp(x, T_out):
    # F.interpolate(mode='linear', align_corners=False) along last axis
    B, C, q = x.shape
    t = jnp.arange(T_out, dtype=jnp.float32)
    src = jnp.clip((t + 0.5) * q / T_out - 0.5, 0.0, q - 1.0)
    i0 = jnp.floor(src).astype(jnp.int32)
    i1 = jnp.minimum(i0 + 1, q - 1)
    w = src - i0.astype(jnp.float32)
    return x[:, :, i0] * (1.0 - w) + x[:, :, i1] * w

def setup_inputs(seed: int = 0):
    key = jax.random.key(seed)
    ks = jax.random.split(key, 12)
    B, C, T, V, q = 4, 64, 1024, 8192, 256
    s = 1.0 / math.sqrt(C)
    return {
        'z': jax.random.normal(ks[0], (B, C, T), jnp.float32),
        'q': q,
        'codebook': jax.random.normal(ks[1], (V, C), jnp.float32) * 0.02,
        'Wq': jax.random.normal(ks[2], (C, C), jnp.float32) * s,
        'bq': jnp.zeros((C,), jnp.float32),
        'Wk': jax.random.normal(ks[3], (C, C), jnp.float32) * s,
        'bk': jnp.zeros((C,), jnp.float32),
        'Wv': jax.random.normal(ks[4], (C, C), jnp.float32) * s,
        'bv': jnp.zeros((C,), jnp.float32),
        'Wp': jax.random.normal(ks[5], (H, C), jnp.float32) * s,
        'bp': jnp.zeros((H,), jnp.float32),
        'gq': jnp.ones((C // H,), jnp.float32),
        'gk': jnp.ones((C // H,), jnp.float32),
    }

def reference(z, q, codebook, Wq, bq, Wk, bk, Wv, bv, Wp, bp, gq, gk):
    B, C, T = z.shape
    V = codebook.shape[0]
    Q = 256
    qa = jnp.asarray(q)
    z = z + (qa - qa).astype(z.dtype)
    # area interpolate T -> q (T divisible by q): average pooling
    rest = z.reshape(B, C, Q, T // Q).mean(axis=-1) if Q != T else z
    logits = _attn_logits(rest, codebook, Wq, bq, Wk, bk, Wp, bp, gq, gk)  # [B, V, q]
    soft = jax.nn.softmax(logits, axis=1)
    idx = jnp.argmax(soft, axis=1)  # [B, q]
    hard = jnp.transpose(jax.nn.one_hot(idx, V, dtype=logits.dtype), (0, 2, 1))  # [B, V, q]
    one_hot = hard - jax.lax.stop_gradient(soft) + soft  # straight-through
    value = codebook @ Wv.T + bv  # [V, C]
    z_q = jnp.einsum('bnt,nd->bdt', one_hot, value)  # [B, C, q]
    # only_index pass at full resolution under no_grad
    logits_full = jax.lax.stop_gradient(_attn_logits(z, codebook, Wq, bq, Wk, bk, Wp, bp, gq, gk))
    code_org = jnp.argmax(logits_full, axis=1).reshape(-1)  # [B*T]
    z_hat = _linear_interp(z_q, T)  # phi == identity (see notes)
    # eval path: compute_perplexity (scatter one-hot counts == bincount)
    counts = jnp.bincount(code_org, length=V).astype(jnp.float32)
    prob = counts / jnp.sum(counts)
    perplexity = jnp.exp(-jnp.sum(prob * jnp.log(prob + 1e-7)))
    return (z_hat, perplexity)

if __name__ == "__main__":
    import jax
    _d = setup_inputs()
    print(jax.jit(kernel)(*tuple(_d.values())))

</pallas_src>

<mosaic_0001>
#map = affine_map<(d0, d1) -> (0, 0)>
#map1 = affine_map<(d0, d1) -> (0)>
module attributes {stable_mosaic.version = 14 : i64} {
  func.func @_sc_gather_bincount(%arg0: i32, %arg1: i32, %arg2: memref<8192x128xf32, #tpu.memory_space<hbm>>, %arg3: memref<1024xi32, #tpu.memory_space<hbm>>, %arg4: memref<4096xi32, #tpu.memory_space<hbm>>, %arg5: memref<1024x128xf32, #tpu.memory_space<hbm>>, %arg6: memref<2x8192xf32, #tpu.memory_space<hbm>>, %arg7: memref<32xi32, #tpu.memory_space<vmem>>, %arg8: memref<32x128xf32, #tpu.memory_space<vmem>>, %arg9: memref<128xi32, #tpu.memory_space<vmem>>, %arg10: memref<128xf32, #tpu.memory_space<vmem>>, %arg11: memref<512xf32, #tpu.memory_space<vmem>>, %arg12: memref<8192xf32, #tpu.memory_space<vmem_shared>>, %arg13: memref<!tpu.dma_semaphore, #tpu.memory_space<semaphore_mem>>) attributes {dimension_semantics = [#tpu.dimension_semantics<core_parallel>, #tpu.dimension_semantics<subcore_parallel>], iteration_bounds = array<i64: 2, 16>, scalar_prefetch = 0 : i64, scratch_operands = 7 : i64, tpu.core_type = #tpu.core_type<sc_vector_subcore>, window_params = [{transform_indices = #map}, {transform_indices = #map1}, {transform_indices = #map1}, {transform_indices = #map}, {transform_indices = #map}]} {
    %mul3A = arith.constant 2 : i32
    %mul3A_0 = arith.muli %arg1, %mul3A : i32
    %add3A = arith.addi %mul3A_0, %arg0 : i32
    %mul3A_1 = arith.constant 32 : i32
    %mul3A_2 = arith.muli %add3A, %mul3A_1 : i32
    "tpu.region"() ({
      %run_scoped3A = tpu.sem_alloc : memref<!tpu.dma_semaphore, #tpu.memory_space<semaphore_mem>>
      %dma_start3A_27 = tpu.memref_slice %arg3[%mul3A_2] : memref<1024xi32, #tpu.memory_space<hbm>> -> memref<32xi32, #tpu.memory_space<hbm>>
      %dma_start3A_28 = tpu.memref_slice %arg3[%mul3A_2] : memref<1024xi32, #tpu.memory_space<hbm>> -> memref<32xi32, #tpu.memory_space<hbm>>
      tpu.enqueue_dma source(%dma_start3A_28 : memref<32xi32, #tpu.memory_space<hbm>>) target(%arg7 : memref<32xi32, #tpu.memory_space<vmem>>) target_semaphore(%run_scoped3A : memref<!tpu.dma_semaphore, #tpu.memory_space<semaphore_mem>>)
      %dma_wait3A_29 = tpu.memref_slice %arg3[%mul3A_2] : memref<1024xi32, #tpu.memory_space<hbm>> -> memref<32xi32, #tpu.memory_space<hbm>>
      %dma_wait3A_30 = tpu.memref_slice %arg3[%mul3A_2] : memref<1024xi32, #tpu.memory_space<hbm>> -> memref<32xi32, #tpu.memory_space<hbm>>
      tpu.wait_dma2 semaphore(%run_scoped3A : memref<!tpu.dma_semaphore, #tpu.memory_space<semaphore_mem>>) src(%dma_wait3A_30 : memref<32xi32, #tpu.memory_space<hbm>>) dst(%arg7 : memref<32xi32, #tpu.memory_space<vmem>>)
      tpu.yield
    }) : () -> ()
    %dma_start3A = arith.constant 0 : i32
    %dma_start3A_3 = arith.constant 0 : i32
    %dma_start3A_4 = tpu.memref_slice %arg2[%dma_start3A, %dma_start3A_3] : memref<8192x128xf32, #tpu.memory_space<hbm>> -> memref<8192x128xf32, #tpu.memory_space<hbm>>
    tpu.enqueue_indirect_dma source(%dma_start3A_4 : memref<8192x128xf32, #tpu.memory_space<hbm>>) target(%arg8 : memref<32x128xf32, #tpu.memory_space<vmem>>) offsets(%arg7 : memref<32xi32, #tpu.memory_space<vmem>>) semaphore(%arg13 : memref<!tpu.dma_semaphore, #tpu.memory_space<semaphore_mem>>)
    %dma_wait3A = arith.constant 0 : i32
    %dma_wait3A_5 = arith.constant 0 : i32
    %dma_wait3A_6 = tpu.memref_slice %arg2[%dma_wait3A, %dma_wait3A_5] : memref<8192x128xf32, #tpu.memory_space<hbm>> -> memref<8192x128xf32, #tpu.memory_space<hbm>>
    tpu.wait_indirect_dma semaphore(%arg13 : memref<!tpu.dma_semaphore, #tpu.memory_space<semaphore_mem>>) src(%dma_wait3A_6 : memref<8192x128xf32, #tpu.memory_space<hbm>>) dst(%arg8 : memref<32x128xf32, #tpu.memory_space<vmem>>)
    %mul3A_7 = arith.constant 32 : i32
    %mul3A_8 = arith.muli %add3A, %mul3A_7 : i32
    "tpu.region"() ({
      %run_scoped3A = tpu.sem_alloc : memref<!tpu.dma_semaphore, #tpu.memory_space<semaphore_mem>>
      %dma_start3A_27 = arith.constant 0 : i32
      %dma_start3A_28 = tpu.memref_slice %arg5[%mul3A_8, %dma_start3A_27] : memref<1024x128xf32, #tpu.memory_space<hbm>> -> memref<32x128xf32, #tpu.memory_space<hbm>>
      %dma_start3A_29 = arith.constant 0 : i32
      %dma_start3A_30 = tpu.memref_slice %arg5[%mul3A_8, %dma_start3A_29] : memref<1024x128xf32, #tpu.memory_space<hbm>> -> memref<32x128xf32, #tpu.memory_space<hbm>>
      tpu.enqueue_dma source(%arg8 : memref<32x128xf32, #tpu.memory_space<vmem>>) target(%dma_start3A_30 : memref<32x128xf32, #tpu.memory_space<hbm>>) target_semaphore(%run_scoped3A : memref<!tpu.dma_semaphore, #tpu.memory_space<semaphore_mem>>)
      %dma_wait3A_31 = arith.constant 0 : i32
      %dma_wait3A_32 = tpu.memref_slice %arg5[%mul3A_8, %dma_wait3A_31] : memref<1024x128xf32, #tpu.memory_space<hbm>> -> memref<32x128xf32, #tpu.memory_space<hbm>>
      %dma_wait3A_33 = arith.constant 0 : i32
      %dma_wait3A_34 = tpu.memref_slice %arg5[%mul3A_8, %dma_wait3A_33] : memref<1024x128xf32, #tpu.memory_space<hbm>> -> memref<32x128xf32, #tpu.memory_space<hbm>>
      tpu.wait_dma2 semaphore(%run_scoped3A : memref<!tpu.dma_semaphore, #tpu.memory_space<semaphore_mem>>) src(%arg8 : memref<32x128xf32, #tpu.memory_space<vmem>>) dst(%dma_wait3A_34 : memref<32x128xf32, #tpu.memory_space<hbm>>)
      tpu.yield
    }) : () -> ()
    %scan3A = arith.constant 0 : i32
    %scan3A_9 = arith.constant 32 : i32
    %scan3A_10 = arith.addi %scan3A, %scan3A_9 : i32
    %scan3A_11 = arith.constant 1 : i32
    scf.for %scan3A_27 = %scan3A to %scan3A_10 step %scan3A_11  : i32 {
      %mul3A_28 = arith.constant 1 : i32
      %mul3A_29 = arith.muli %scan3A_27, %mul3A_28 : i32
      %add3A_30 = arith.constant 0 : i32
      %add3A_31 = arith.addi %add3A_30, %mul3A_29 : i32
      %broadcast_in_dim3A = arith.constant 0.000000e+00 : f32
      %broadcast_in_dim3A_32 = vector.broadcast %broadcast_in_dim3A : f32 to vector<16xf32>
      %mul3A_33 = arith.constant 16 : i32
      %mul3A_34 = arith.muli %add3A_31, %mul3A_33 : i32
      %swap3A = arith.index_cast %mul3A_34 : i32 to index
      %swap3A_35 = tpu.vector_load %arg11[%swap3A] {strides = array<i32>} : memref<512xf32, #tpu.memory_space<vmem>>, vector<16xf32>,
      %swap3A_36 = vector.shape_cast %swap3A_35 : vector<16xf32> to vector<16xf32>
      %swap3A_37 = vector.shape_cast %broadcast_in_dim3A_32 : vector<16xf32> to vector<16xf32>
      tpu.vector_store %arg11[%swap3A], %swap3A_37 {strides = array<i32>} : memref<512xf32, #tpu.memory_space<vmem>>, vector<16xf32>,
    }
    %scan3A_12 = arith.constant 32 : i32
    %scan3A_13 = arith.constant 0 : i32
    %scan3A_14 = arith.constant 8 : i32
    %scan3A_15 = arith.addi %scan3A_13, %scan3A_14 : i32
    %scan3A_16 = arith.constant 1 : i32
    scf.for %scan3A_27 = %scan3A_13 to %scan3A_15 step %scan3A_16  : i32 {
      %mul3A_28 = arith.constant 1 : i32
      %mul3A_29 = arith.muli %scan3A_27, %mul3A_28 : i32
      %add3A_30 = arith.constant 0 : i32
      %add3A_31 = arith.addi %add3A_30, %mul3A_29 : i32
      %broadcast_in_dim3A = arith.constant 1.000000e+00 : f32
      %broadcast_in_dim3A_32 = vector.broadcast %broadcast_in_dim3A : f32 to vector<16xf32>
      %mul3A_33 = arith.constant 16 : i32
      %mul3A_34 = arith.muli %add3A_31, %mul3A_33 : i32
      %swap3A = arith.index_cast %mul3A_34 : i32 to index
      %swap3A_35 = tpu.vector_load %arg10[%swap3A] {strides = array<i32>} : memref<128xf32, #tpu.memory_space<vmem>>, vector<16xf32>,
      %swap3A_36 = vector.shape_cast %swap3A_35 : vector<16xf32> to vector<16xf32>
      %swap3A_37 = vector.shape_cast %broadcast_in_dim3A_32 : vector<16xf32> to vector<16xf32>
      tpu.vector_store %arg10[%swap3A], %swap3A_37 {strides = array<i32>} : memref<128xf32, #tpu.memory_space<vmem>>, vector<16xf32>,
    }
    %scan3A_17 = arith.constant 8 : i32
    %mul3A_18 = arith.constant 512 : i32
    %mul3A_19 = arith.muli %arg1, %mul3A_18 : i32
    "tpu.region"() ({
      %run_scoped3A = tpu.sem_alloc : memref<!tpu.dma_semaphore, #tpu.memory_space<semaphore_mem>>
      %dma_start3A_27 = tpu.memref_slice %arg12[%mul3A_19] : memref<8192xf32, #tpu.memory_space<vmem_shared>> -> memref<512xf32, #tpu.memory_space<vmem_shared>>
      %dma_start3A_28 = tpu.memref_slice %arg12[%mul3A_19] : memref<8192xf32, #tpu.memory_space<vmem_shared>> -> memref<512xf32, #tpu.memory_space<vmem_shared>>
      tpu.enqueue_dma source(%arg11 : memref<512xf32, #tpu.memory_space<vmem>>) target(%dma_start3A_28 : memref<512xf32, #tpu.memory_space<vmem_shared>>) target_semaphore(%run_scoped3A : memref<!tpu.dma_semaphore, #tpu.memory_space<semaphore_mem>>)
      %dma_wait3A_29 = tpu.memref_slice %arg12[%mul3A_19] : memref<8192xf32, #tpu.memory_space<vmem_shared>> -> memref<512xf32, #tpu.memory_space<vmem_shared>>
      %dma_wait3A_30 = tpu.memref_slice %arg12[%mul3A_19] : memref<8192xf32, #tpu.memory_space<vmem_shared>> -> memref<512xf32, #tpu.memory_space<vmem_shared>>
      tpu.wait_dma2 semaphore(%run_scoped3A : memref<!tpu.dma_semaphore, #tpu.memory_space<semaphore_mem>>) src(%arg11 : memref<512xf32, #tpu.memory_space<vmem>>) dst(%dma_wait3A_30 : memref<512xf32, #tpu.memory_space<vmem_shared>>)
      tpu.yield
    }) : () -> ()
    %barrier3A = arith.constant 0 : index
    tpu.barrier barrier_id(%barrier3A)
    %mul3A_20 = arith.constant 128 : i32
    %mul3A_21 = arith.muli %add3A, %mul3A_20 : i32
    "tpu.region"() ({
      %run_scoped3A = tpu.sem_alloc : memref<!tpu.dma_semaphore, #tpu.memory_space<semaphore_mem>>
      %dma_start3A_27 = tpu.memref_slice %arg4[%mul3A_21] : memref<4096xi32, #tpu.memory_space<hbm>> -> memref<128xi32, #tpu.memory_space<hbm>>
      %dma_start3A_28 = tpu.memref_slice %arg4[%mul3A_21] : memref<4096xi32, #tpu.memory_space<hbm>> -> memref<128xi32, #tpu.memory_space<hbm>>
      tpu.enqueue_dma source(%dma_start3A_28 : memref<128xi32, #tpu.memory_space<hbm>>) target(%arg9 : memref<128xi32, #tpu.memory_space<vmem>>) target_semaphore(%run_scoped3A : memref<!tpu.dma_semaphore, #tpu.memory_space<semaphore_mem>>)
      %dma_wait3A_29 = tpu.memref_slice %arg4[%mul3A_21] : memref<4096xi32, #tpu.memory_space<hbm>> -> memref<128xi32, #tpu.memory_space<hbm>>
      %dma_wait3A_30 = tpu.memref_slice %arg4[%mul3A_21] : memref<4096xi32, #tpu.memory_space<hbm>> -> memref<128xi32, #tpu.memory_space<hbm>>
      tpu.wait_dma2 semaphore(%run_scoped3A : memref<!tpu.dma_semaphore, #tpu.memory_space<semaphore_mem>>) src(%dma_wait3A_30 : memref<128xi32, #tpu.memory_space<hbm>>) dst(%arg9 : memref<128xi32, #tpu.memory_space<vmem>>)
      tpu.yield
    }) : () -> ()
    "tpu.region"() ({
      %run_scoped3A = tpu.sem_alloc : memref<!tpu.dma_semaphore, #tpu.memory_space<semaphore_mem>>
      %dma_start3A_27 = arith.constant 0 : i32
      %dma_start3A_28 = tpu.memref_slice %arg12[%dma_start3A_27] : memref<8192xf32, #tpu.memory_space<vmem_shared>> -> memref<8192xf32, #tpu.memory_space<vmem_shared>>
      tpu.enqueue_indirect_dma source(%arg10 : memref<128xf32, #tpu.memory_space<vmem>>) target(%dma_start3A_28 : memref<8192xf32, #tpu.memory_space<vmem_shared>>) offsets(%arg9 : memref<128xi32, #tpu.memory_space<vmem>>) semaphore(%run_scoped3A : memref<!tpu.dma_semaphore, #tpu.memory_space<semaphore_mem>>) {add = true}
      %dma_wait3A_29 = arith.constant 0 : i32
      %dma_wait3A_30 = tpu.memref_slice %arg12[%dma_wait3A_29] : memref<8192xf32, #tpu.memory_space<vmem_shared>> -> memref<8192xf32, #tpu.memory_space<vmem_shared>>
      tpu.wait_indirect_dma semaphore(%run_scoped3A : memref<!tpu.dma_semaphore, #tpu.memory_space<semaphore_mem>>) src(%arg10 : memref<128xf32, #tpu.memory_space<vmem>>) dst(%dma_wait3A_30 : memref<8192xf32, #tpu.memory_space<vmem_shared>>)
      tpu.yield
    }) : () -> ()
    %barrier3A_22 = arith.constant 0 : index
    tpu.barrier barrier_id(%barrier3A_22)
    %mul3A_23 = arith.constant 512 : i32
    %mul3A_24 = arith.muli %arg1, %mul3A_23 : i32
    "tpu.region"() ({
      %run_scoped3A = tpu.sem_alloc : memref<!tpu.dma_semaphore, #tpu.memory_space<semaphore_mem>>
      %dma_start3A_27 = tpu.memref_slice %arg12[%mul3A_24] : memref<8192xf32, #tpu.memory_space<vmem_shared>> -> memref<512xf32, #tpu.memory_space<vmem_shared>>
      %dma_start3A_28 = tpu.memref_slice %arg12[%mul3A_24] : memref<8192xf32, #tpu.memory_space<vmem_shared>> -> memref<512xf32, #tpu.memory_space<vmem_shared>>
      tpu.enqueue_dma source(%dma_start3A_28 : memref<512xf32, #tpu.memory_space<vmem_shared>>) target(%arg11 : memref<512xf32, #tpu.memory_space<vmem>>) target_semaphore(%run_scoped3A : memref<!tpu.dma_semaphore, #tpu.memory_space<semaphore_mem>>)
      %dma_wait3A_29 = tpu.memref_slice %arg12[%mul3A_24] : memref<8192xf32, #tpu.memory_space<vmem_shared>> -> memref<512xf32, #tpu.memory_space<vmem_shared>>
      %dma_wait3A_30 = tpu.memref_slice %arg12[%mul3A_24] : memref<8192xf32, #tpu.memory_space<vmem_shared>> -> memref<512xf32, #tpu.memory_space<vmem_shared>>
      tpu.wait_dma2 semaphore(%run_scoped3A : memref<!tpu.dma_semaphore, #tpu.memory_space<semaphore_mem>>) src(%dma_wait3A_30 : memref<512xf32, #tpu.memory_space<vmem_shared>>) dst(%arg11 : memref<512xf32, #tpu.memory_space<vmem>>)
      tpu.yield
    }) : () -> ()
    %mul3A_25 = arith.constant 512 : i32
    %mul3A_26 = arith.muli %arg1, %mul3A_25 : i32
    "tpu.region"() ({
      %run_scoped3A = tpu.sem_alloc : memref<!tpu.dma_semaphore, #tpu.memory_space<semaphore_mem>>
      %dma_start3A_27 = tpu.memref_slice %arg6[%arg0, %mul3A_26] : memref<2x8192xf32, #tpu.memory_space<hbm>> -> memref<1x512xf32, #tpu.memory_space<hbm>>
      %dma_start3A_28 = tpu.memref_squeeze %dma_start3A_27 : memref<1x512xf32, #tpu.memory_space<hbm>> -> memref<512xf32, #tpu.memory_space<hbm>>
      %dma_start3A_29 = tpu.memref_slice %arg6[%arg0, %mul3A_26] : memref<2x8192xf32, #tpu.memory_space<hbm>> -> memref<1x512xf32, #tpu.memory_space<hbm>>
      %dma_start3A_30 = tpu.memref_squeeze %dma_start3A_29 : memref<1x512xf32, #tpu.memory_space<hbm>> -> memref<512xf32, #tpu.memory_space<hbm>>
      tpu.enqueue_dma source(%arg11 : memref<512xf32, #tpu.memory_space<vmem>>) target(%dma_start3A_30 : memref<512xf32, #tpu.memory_space<hbm>>) target_semaphore(%run_scoped3A : memref<!tpu.dma_semaphore, #tpu.memory_space<semaphore_mem>>)
      %dma_wait3A_31 = tpu.memref_slice %arg6[%arg0, %mul3A_26] : memref<2x8192xf32, #tpu.memory_space<hbm>> -> memref<1x512xf32, #tpu.memory_space<hbm>>
      %dma_wait3A_32 = tpu.memref_squeeze %dma_wait3A_31 : memref<1x512xf32, #tpu.memory_space<hbm>> -> memref<512xf32, #tpu.memory_space<hbm>>
      %dma_wait3A_33 = tpu.memref_slice %arg6[%arg0, %mul3A_26] : memref<2x8192xf32, #tpu.memory_space<hbm>> -> memref<1x512xf32, #tpu.memory_space<hbm>>
      %dma_wait3A_34 = tpu.memref_squeeze %dma_wait3A_33 : memref<1x512xf32, #tpu.memory_space<hbm>> -> memref<512xf32, #tpu.memory_space<hbm>>
      tpu.wait_dma2 semaphore(%run_scoped3A : memref<!tpu.dma_semaphore, #tpu.memory_space<semaphore_mem>>) src(%arg11 : memref<512xf32, #tpu.memory_space<vmem>>) dst(%dma_wait3A_34 : memref<512xf32, #tpu.memory_space<hbm>>)
      tpu.yield
    }) : () -> ()
    return
  }
}

module attributes {stable_mosaic.version = 14 : i64} {
  func.func @_argmax_kernel(%arg0: i32, %arg1: memref<4x1024x64xf32, #tpu.memory_space<vmem>>, %arg2: memref<2048x64xf32, #tpu.memory_space<vmem>>, %arg3: memref<64x64xf32, #tpu.memory_space<vmem>>, %arg4: memref<1x64xf32, #tpu.memory_space<vmem>>, %arg5: memref<64x64xf32, #tpu.memory_space<vmem>>, %arg6: memref<1x64xf32, #tpu.memory_space<vmem>>, %arg7: memref<64x64xf32, #tpu.memory_space<vmem>>, %arg8: memref<1x64xf32, #tpu.memory_space<vmem>>, %arg9: memref<64x8xf32, #tpu.memory_space<vmem>>, %arg10: memref<1x8xf32, #tpu.memory_space<vmem>>, %arg11: memref<64x1xf32, #tpu.memory_space<vmem>>, %arg12: memref<64x1xf32, #tpu.memory_space<vmem>>, %arg13: memref<1x5120xi32, #tpu.memory_space<vmem>>, %arg14: memref<2048x128xf32, #tpu.memory_space<vmem>>, %arg15: memref<64x5120xf32, #tpu.memory_space<vmem>>, %arg16: memref<1x5120xf32, #tpu.memory_space<vmem>>, %arg17: memref<1x5120xf32, #tpu.memory_space<vmem>>) attributes {dimension_semantics = [#tpu.dimension_semantics<arbitrary>], iteration_bounds = array<i64: 4>, scalar_prefetch = 0 : i64, scratch_operands = 3 : i64, tpu.core_type = #tpu.core_type<tc>, window_params = [{pipeline_mode = #tpu.pipeline_mode<synchronous>, transform_indices = @transform_0, window_bounds = array<i64: 4, 1024, 64>}, {transform_indices = @transform_1, window_bounds = array<i64: 2048, 64>}, {pipeline_mode = #tpu.pipeline_mode<synchronous>, transform_indices = @transform_2, window_bounds = array<i64: 64, 64>}, {pipeline_mode = #tpu.pipeline_mode<synchronous>, transform_indices = @transform_3, window_bounds = array<i64: 1, 64>}, {pipeline_mode = #tpu.pipeline_mode<synchronous>, transform_indices = @transform_4, window_bounds = array<i64: 64, 64>}, {pipeline_mode = #tpu.pipeline_mode<synchronous>, transform_indices = @transform_5, window_bounds = array<i64: 1, 64>}, {pipeline_mode = #tpu.pipeline_mode<synchronous>, transform_indices = @transform_6, window_bounds = array<i64: 64, 64>}, {pipeline_mode = #tpu.pipeline_mode<synchronous>, transform_indices = @transform_7, window_bounds = array<i64: 1, 64>}, {pipeline_mode = #tpu.pipeline_mode<synchronous>, transform_indices = @transform_8, window_bounds = array<i64: 64, 8>}, {pipeline_mode = #tpu.pipeline_mode<synchronous>, transform_indices = @transform_9, window_bounds = array<i64: 1, 8>}, {pipeline_mode = #tpu.pipeline_mode<synchronous>, transform_indices = @transform_10, window_bounds = array<i64: 64, 1>}, {pipeline_mode = #tpu.pipeline_mode<synchronous>, transform_indices = @transform_11, window_bounds = array<i64: 64, 1>}, {pipeline_mode = #tpu.pipeline_mode<synchronous>, transform_indices = @transform_12, window_bounds = array<i64: 1, 5120>}, {transform_indices = @transform_13, window_bounds = array<i64: 2048, 128>}]} {
    %eq3A = arith.constant 0 : i32
    %eq3A_0 = arith.cmpi eq, %arg0, %eq3A : i32
    %convert_element_type3A = arith.extui %eq3A_0 : i1 to i32
    %cond3A = arith.constant 0 : i32
    %cond3A_1 = arith.cmpi ne, %convert_element_type3A, %cond3A : i32
    scf.if %cond3A_1 {
      %get3A_176 = arith.constant 0 : index
      %get3A_177 = arith.constant 0 : index
      %get3A_178 = arith.constant 0 : index
      %get3A_179 = vector.load %arg1[%get3A_176, %get3A_177, %get3A_178] : memref<4x1024x64xf32, #tpu.memory_space<vmem>>, vector<4x1024x64xf32>
      %reshape3A = vector.shape_cast %get3A_179 : vector<4x1024x64xf32> to vector<4x256x4x64xf32>
      %slice3A_180 = vector.extract_strided_slice %reshape3A {offsets = [0, 0, 0, 0], sizes = [4, 256, 1, 64], strides = [1, 1, 1, 1]} : vector<4x256x4x64xf32> to vector<4x256x1x64xf32>
      %squeeze3A = vector.shape_cast %slice3A_180 : vector<4x256x1x64xf32> to vector<4x256x64xf32>
      %slice3A_181 = vector.extract_strided_slice %reshape3A {offsets = [0, 0, 1, 0], sizes = [4, 256, 1, 64], strides = [1, 1, 1, 1]} : vector<4x256x4x64xf32> to vector<4x256x1x64xf32>
      %squeeze3A_182 = vector.shape_cast %slice3A_181 : vector<4x256x1x64xf32> to vector<4x256x64xf32>
      %add3A_183 = arith.addf %squeeze3A, %squeeze3A_182 : vector<4x256x64xf32>
      %slice3A_184 = vector.extract_strided_slice %reshape3A {offsets = [0, 0, 2, 0], sizes = [4, 256, 1, 64], strides = [1, 1, 1, 1]} : vector<4x256x4x64xf32> to vector<4x256x1x64xf32>
      %squeeze3A_185 = vector.shape_cast %slice3A_184 : vector<4x256x1x64xf32> to vector<4x256x64xf32>
      %add3A_186 = arith.addf %add3A_183, %squeeze3A_185 : vector<4x256x64xf32>
      %slice3A_187 = vector.extract_strided_slice %reshape3A {offsets = [0, 0, 3, 0], sizes = [4, 256, 1, 64], strides = [1, 1, 1, 1]} : vector<4x256x4x64xf32> to vector<4x256x1x64xf32>
      %squeeze3A_188 = vector.shape_cast %slice3A_187 : vector<4x256x1x64xf32> to vector<4x256x64xf32>
      %add3A_189 = arith.addf %add3A_186, %squeeze3A_188 : vector<4x256x64xf32>
      %mul3A_190 = arith.constant 2.500000e-01 : f32
      %mul3A_191 = vector.broadcast %mul3A_190 : f32 to vector<4x256x64xf32>
      %mul3A_192 = arith.mulf %add3A_189, %mul3A_191 : vector<4x256x64xf32>
      %reshape3A_193 = vector.shape_cast %mul3A_192 : vector<4x256x64xf32> to vector<1024x64xf32>
      %get3A_194 = arith.constant 0 : index
      %get3A_195 = arith.constant 0 : index
      %get3A_196 = arith.constant 0 : index
      %get3A_197 = vector.load %arg1[%get3A_194, %get3A_195, %get3A_196] : memref<4x1024x64xf32, #tpu.memory_space<vmem>>, vector<4x1024x64xf32>
      %reshape3A_198 = vector.shape_cast %get3A_197 : vector<4x1024x64xf32> to vector<4096x64xf32>
      %concatenate3A_199 = tpu.concatenate %reshape3A_193, %reshape3A_198 in 0 : vector<1024x64xf32>, vector<4096x64xf32> -> vector<5120x64xf32>
      %get3A_200 = arith.constant 0 : index
      %get3A_201 = arith.constant 0 : index
      %get3A_202 = vector.load %arg3[%get3A_200, %get3A_201] : memref<64x64xf32, #tpu.memory_space<vmem>>, vector<64x64xf32>
      %dot_general3A_203 = arith.constant dense<0.000000e+00> : vector<5120x64xf32>
      %dot_general3A_204 = tpu.matmul %concatenate3A_199, %get3A_202, %dot_general3A_203 {dimension_numbers = #tpu.dot_dimension_numbers<[1], [0], [0], [1], [0, 0, 1, 1], [], []>, transpose_lhs_hint = false} : vector<5120x64xf32>, vector<64x64xf32>, vector<5120x64xf32> -> vector<5120x64xf32>
      %get3A_205 = arith.constant 0 : index
      %get3A_206 = arith.constant 0 : index
      %get3A_207 = vector.load %arg4[%get3A_205, %get3A_206] : memref<1x64xf32, #tpu.memory_space<vmem>>, vector<1x64xf32>
      %add3A_208 = vector.broadcast %get3A_207 : vector<1x64xf32> to vector<5120x64xf32>
      %add3A_209 = arith.addf %dot_general3A_204, %add3A_208 : vector<5120x64xf32>
      %get3A_210 = arith.constant 0 : index
      %get3A_211 = arith.constant 0 : index
      %get3A_212 = vector.load %arg9[%get3A_210, %get3A_211] : memref<64x8xf32, #tpu.memory_space<vmem>>, vector<64x8xf32>
      %dot_general3A_213 = arith.constant dense<0.000000e+00> : vector<5120x8xf32>
      %dot_general3A_214 = tpu.matmul %concatenate3A_199, %get3A_212, %dot_general3A_213 {dimension_numbers = #tpu.dot_dimension_numbers<[1], [0], [0], [1], [0, 0, 1, 1], [], []>, transpose_lhs_hint = false} : vector<5120x64xf32>, vector<64x8xf32>, vector<5120x8xf32> -> vector<5120x8xf32>
      %get3A_215 = arith.constant 0 : index
      %get3A_216 = arith.constant 0 : index
      %get3A_217 = vector.load %arg10[%get3A_215, %get3A_216] : memref<1x8xf32, #tpu.memory_space<vmem>>, vector<1x8xf32>
      %add3A_218 = vector.broadcast %get3A_217 : vector<1x8xf32> to vector<5120x8xf32>
      %add3A_219 = arith.addf %dot_general3A_214, %add3A_218 : vector<5120x8xf32>
      %transpose3A_220 = tpu.transpose %add3A_209, [1, 0] : vector<5120x64xf32> -> vector<64x5120xf32>
      %get3A_221 = arith.constant 0 : index
      %get3A_222 = arith.constant 0 : index
      %get3A_223 = vector.load %arg11[%get3A_221, %get3A_222] : memref<64x1xf32, #tpu.memory_space<vmem>>, vector<64x1xf32>
      %slice3A_224 = vector.extract_strided_slice %transpose3A_220 {offsets = [0, 0], sizes = [8, 5120], strides = [1, 1]} : vector<64x5120xf32> to vector<8x5120xf32>
      %mul3A_225 = arith.mulf %slice3A_224, %slice3A_224 : vector<8x5120xf32>
      %reduce_sum3A_226 = arith.constant dense<0.000000e+00> : vector<5120xf32>
      %reduce_sum3A_227 = vector.multi_reduction <add>, %mul3A_225, %reduce_sum3A_226 [0] : vector<8x5120xf32> to vector<5120xf32>
      %broadcast_in_dim3A_228 = vector.shape_cast %reduce_sum3A_227 : vector<5120xf32> to vector<1x5120xf32>
      %mul3A_229 = arith.constant 1.250000e-01 : f32
      %mul3A_230 = vector.broadcast %mul3A_229 : f32 to vector<1x5120xf32>
      %mul3A_231 = arith.mulf %broadcast_in_dim3A_228, %mul3A_230 : vector<1x5120xf32>
      %add3A_232 = arith.constant 9.99999974E-6 : f32
      %add3A_233 = vector.broadcast %add3A_232 : f32 to vector<1x5120xf32>
      %add3A_234 = arith.addf %mul3A_231, %add3A_233 : vector<1x5120xf32>
      %rsqrt3A_235 = math.rsqrt %add3A_234 : vector<1x5120xf32>
      %broadcast_in_dim3A_236 = vector.shape_cast %rsqrt3A_235 : vector<1x5120xf32> to vector<1x5120xf32>
      %broadcast_in_dim3A_237 = vector.broadcast %broadcast_in_dim3A_236 : vector<1x5120xf32> to vector<8x5120xf32>
      %slice3A_238 = vector.extract_strided_slice %transpose3A_220 {offsets = [8, 0], sizes = [8, 5120], strides = [1, 1]} : vector<64x5120xf32> to vector<8x5120xf32>
      %mul3A_239 = arith.mulf %slice3A_238, %slice3A_238 : vector<8x5120xf32>
      %reduce_sum3A_240 = arith.constant dense<0.000000e+00> : vector<5120xf32>
      %reduce_sum3A_241 = vector.multi_reduction <add>, %mul3A_239, %reduce_sum3A_240 [0] : vector<8x5120xf32> to vector<5120xf32>
      %broadcast_in_dim3A_242 = vector.shape_cast %reduce_sum3A_241 : vector<5120xf32> to vector<1x5120xf32>
      %mul3A_243 = arith.constant 1.250000e-01 : f32
      %mul3A_244 = vector.broadcast %mul3A_243 : f32 to vector<1x5120xf32>
      %mul3A_245 = arith.mulf %broadcast_in_dim3A_242, %mul3A_244 : vector<1x5120xf32>
      %add3A_246 = arith.constant 9.99999974E-6 : f32
      %add3A_247 = vector.broadcast %add3A_246 : f32 to vector<1x5120xf32>
      %add3A_248 = arith.addf %mul3A_245, %add3A_247 : vector<1x5120xf32>
      %rsqrt3A_249 = math.rsqrt %add3A_248 : vector<1x5120xf32>
      %broadcast_in_dim3A_250 = vector.shape_cast %rsqrt3A_249 : vector<1x5120xf32> to vector<1x5120xf32>
      %broadcast_in_dim3A_251 = vector.broadcast %broadcast_in_dim3A_250 : vector<1x5120xf32> to vector<8x5120xf32>
      %slice3A_252 = vector.extract_strided_slice %transpose3A_220 {offsets = [16, 0], sizes = [8, 5120], strides = [1, 1]} : vector<64x5120xf32> to vector<8x5120xf32>
      %mul3A_253 = arith.mulf %slice3A_252, %slice3A_252 : vector<8x5120xf32>
      %reduce_sum3A_254 = arith.constant dense<0.000000e+00> : vector<5120xf32>
      %reduce_sum3A_255 = vector.multi_reduction <add>, %mul3A_253, %reduce_sum3A_254 [0] : vector<8x5120xf32> to vector<5120xf32>
      %broadcast_in_dim3A_256 = vector.shape_cast %reduce_sum3A_255 : vector<5120xf32> to vector<1x5120xf32>
      %mul3A_257 = arith.constant 1.250000e-01 : f32
      %mul3A_258 = vector.broadcast %mul3A_257 : f32 to vector<1x5120xf32>
      %mul3A_259 = arith.mulf %broadcast_in_dim3A_256, %mul3A_258 : vector<1x5120xf32>
      %add3A_260 = arith.constant 9.99999974E-6 : f32
      %add3A_261 = vector.broadcast %add3A_260 : f32 to vector<1x5120xf32>
      %add3A_262 = arith.addf %mul3A_259, %add3A_261 : vector<1x5120xf32>
      %rsqrt3A_263 = math.rsqrt %add3A_262 : vector<1x5120xf32>
      %broadcast_in_dim3A_264 = vector.shape_cast %rsqrt3A_263 : vector<1x5120xf32> to vector<1x5120xf32>
      %broadcast_in_dim3A_265 = vector.broadcast %broadcast_in_dim3A_264 : vector<1x5120xf32> to vector<8x5120xf32>
      %slice3A_266 = vector.extract_strided_slice %transpose3A_220 {offsets = [24, 0], sizes = [8, 5120], strides = [1, 1]} : vector<64x5120xf32> to vector<8x5120xf32>
      %mul3A_267 = arith.mulf %slice3A_266, %slice3A_266 : vector<8x5120xf32>
      %reduce_sum3A_268 = arith.constant dense<0.000000e+00> : vector<5120xf32>
      %reduce_sum3A_269 = vector.multi_reduction <add>, %mul3A_267, %reduce_sum3A_268 [0] : vector<8x5120xf32> to vector<5120xf32>
      %broadcast_in_dim3A_270 = vector.shape_cast %reduce_sum3A_269 : vector<5120xf32> to vector<1x5120xf32>
      %mul3A_271 = arith.constant 1.250000e-01 : f32
      %mul3A_272 = vector.broadcast %mul3A_271 : f32 to vector<1x5120xf32>
      %mul3A_273 = arith.mulf %broadcast_in_dim3A_270, %mul3A_272 : vector<1x5120xf32>
      %add3A_274 = arith.constant 9.99999974E-6 : f32
      %add3A_275 = vector.broadcast %add3A_274 : f32 to vector<1x5120xf32>
      %add3A_276 = arith.addf %mul3A_273, %add3A_275 : vector<1x5120xf32>
      %rsqrt3A_277 = math.rsqrt %add3A_276 : vector<1x5120xf32>
      %broadcast_in_dim3A_278 = vector.shape_cast %rsqrt3A_277 : vector<1x5120xf32> to vector<1x5120xf32>
      %broadcast_in_dim3A_279 = vector.broadcast %broadcast_in_dim3A_278 : vector<1x5120xf32> to vector<8x5120xf32>
      %slice3A_280 = vector.extract_strided_slice %transpose3A_220 {offsets = [32, 0], sizes = [8, 5120], strides = [1, 1]} : vector<64x5120xf32> to vector<8x5120xf32>
      %mul3A_281 = arith.mulf %slice3A_280, %slice3A_280 : vector<8x5120xf32>
      %reduce_sum3A_282 = arith.constant dense<0.000000e+00> : vector<5120xf32>
      %reduce_sum3A_283 = vector.multi_reduction <add>, %mul3A_281, %reduce_sum3A_282 [0] : vector<8x5120xf32> to vector<5120xf32>
      %broadcast_in_dim3A_284 = vector.shape_cast %reduce_sum3A_283 : vector<5120xf32> to vector<1x5120xf32>
      %mul3A_285 = arith.constant 1.250000e-01 : f32
      %mul3A_286 = vector.broadcast %mul3A_285 : f32 to vector<1x5120xf32>
      %mul3A_287 = arith.mulf %broadcast_in_dim3A_284, %mul3A_286 : vector<1x5120xf32>
      %add3A_288 = arith.constant 9.99999974E-6 : f32
      %add3A_289 = vector.broadcast %add3A_288 : f32 to vector<1x5120xf32>
      %add3A_290 = arith.addf %mul3A_287, %add3A_289 : vector<1x5120xf32>
      %rsqrt3A_291 = math.rsqrt %add3A_290 : vector<1x5120xf32>
      %broadcast_in_dim3A_292 = vector.shape_cast %rsqrt3A_291 : vector<1x5120xf32> to vector<1x5120xf32>
      %broadcast_in_dim3A_293 = vector.broadcast %broadcast_in_dim3A_292 : vector<1x5120xf32> to vector<8x5120xf32>
      %slice3A_294 = vector.extract_strided_slice %transpose3A_220 {offsets = [40, 0], sizes = [8, 5120], strides = [1, 1]} : vector<64x5120xf32> to vector<8x5120xf32>
      %mul3A_295 = arith.mulf %slice3A_294, %slice3A_294 : vector<8x5120xf32>
      %reduce_sum3A_296 = arith.constant dense<0.000000e+00> : vector<5120xf32>
      %reduce_sum3A_297 = vector.multi_reduction <add>, %mul3A_295, %reduce_sum3A_296 [0] : vector<8x5120xf32> to vector<5120xf32>
      %broadcast_in_dim3A_298 = vector.shape_cast %reduce_sum3A_297 : vector<5120xf32> to vector<1x5120xf32>
      %mul3A_299 = arith.constant 1.250000e-01 : f32
      %mul3A_300 = vector.broadcast %mul3A_299 : f32 to vector<1x5120xf32>
      %mul3A_301 = arith.mulf %broadcast_in_dim3A_298, %mul3A_300 : vector<1x5120xf32>
      %add3A_302 = arith.constant 9.99999974E-6 : f32
      %add3A_303 = vector.broadcast %add3A_302 : f32 to vector<1x5120xf32>
      %add3A_304 = arith.addf %mul3A_301, %add3A_303 : vector<1x5120xf32>
      %rsqrt3A_305 = math.rsqrt %add3A_304 : vector<1x5120xf32>
      %broadcast_in_dim3A_306 = vector.shape_cast %rsqrt3A_305 : vector<1x5120xf32> to vector<1x5120xf32>
      %broadcast_in_dim3A_307 = vector.broadcast %broadcast_in_dim3A_306 : vector<1x5120xf32> to vector<8x5120xf32>
      %slice3A_308 = vector.extract_strided_slice %transpose3A_220 {offsets = [48, 0], sizes = [8, 5120], strides = [1, 1]} : vector<64x5120xf32> to vector<8x5120xf32>
      %mul3A_309 = arith.mulf %slice3A_308, %slice3A_308 : vector<8x5120xf32>
      %reduce_sum3A_310 = arith.constant dense<0.000000e+00> : vector<5120xf32>
      %reduce_sum3A_311 = vector.multi_reduction <add>, %mul3A_309, %reduce_sum3A_310 [0] : vector<8x5120xf32> to vector<5120xf32>
      %broadcast_in_dim3A_312 = vector.shape_cast %reduce_sum3A_311 : vector<5120xf32> to vector<1x5120xf32>
      %mul3A_313 = arith.constant 1.250000e-01 : f32
      %mul3A_314 = vector.broadcast %mul3A_313 : f32 to vector<1x5120xf32>
      %mul3A_315 = arith.mulf %broadcast_in_dim3A_312, %mul3A_314 : vector<1x5120xf32>
      %add3A_316 = arith.constant 9.99999974E-6 : f32
      %add3A_317 = vector.broadcast %add3A_316 : f32 to vector<1x5120xf32>
      %add3A_318 = arith.addf %mul3A_315, %add3A_317 : vector<1x5120xf32>
      %rsqrt3A_319 = math.rsqrt %add3A_318 : vector<1x5120xf32>
      %broadcast_in_dim3A_320 = vector.shape_cast %rsqrt3A_319 : vector<1x5120xf32> to vector<1x5120xf32>
      %broadcast_in_dim3A_321 = vector.broadcast %broadcast_in_dim3A_320 : vector<1x5120xf32> to vector<8x5120xf32>
      %slice3A_322 = vector.extract_strided_slice %transpose3A_220 {offsets = [56, 0], sizes = [8, 5120], strides = [1, 1]} : vector<64x5120xf32> to vector<8x5120xf32>
      %mul3A_323 = arith.mulf %slice3A_322, %slice3A_322 : vector<8x5120xf32>
      %reduce_sum3A_324 = arith.constant dense<0.000000e+00> : vector<5120xf32>
      %reduce_sum3A_325 = vector.multi_reduction <add>, %mul3A_323, %reduce_sum3A_324 [0] : vector<8x5120xf32> to vector<5120xf32>
      %broadcast_in_dim3A_326 = vector.shape_cast %reduce_sum3A_325 : vector<5120xf32> to vector<1x5120xf32>
      %mul3A_327 = arith.constant 1.250000e-01 : f32
      %mul3A_328 = vector.broadcast %mul3A_327 : f32 to vector<1x5120xf32>
      %mul3A_329 = arith.mulf %broadcast_in_dim3A_326, %mul3A_328 : vector<1x5120xf32>
      %add3A_330 = arith.constant 9.99999974E-6 : f32
      %add3A_331 = vector.broadcast %add3A_330 : f32 to vector<1x5120xf32>
      %add3A_332 = arith.addf %mul3A_329, %add3A_331 : vector<1x5120xf32>
      %rsqrt3A_333 = math.rsqrt %add3A_332 : vector<1x5120xf32>
      %broadcast_in_dim3A_334 = vector.shape_cast %rsqrt3A_333 : vector<1x5120xf32> to vector<1x5120xf32>
      %broadcast_in_dim3A_335 = vector.broadcast %broadcast_in_dim3A_334 : vector<1x5120xf32> to vector<8x5120xf32>
      %concatenate3A_336 = tpu.concatenate %broadcast_in_dim3A_237, %broadcast_in_dim3A_251, %broadcast_in_dim3A_265, %broadcast_in_dim3A_279, %broadcast_in_dim3A_293, %broadcast_in_dim3A_307, %broadcast_in_dim3A_321, %broadcast_in_dim3A_335 in 0 : vector<8x5120xf32>, vector<8x5120xf32>, vector<8x5120xf32>, vector<8x5120xf32>, vector<8x5120xf32>, vector<8x5120xf32>, vector<8x5120xf32>, vector<8x5120xf32> -> vector<64x5120xf32>
      %mul3A_337 = arith.mulf %transpose3A_220, %concatenate3A_336 : vector<64x5120xf32>
      %mul3A_338 = vector.broadcast %get3A_223 : vector<64x1xf32> to vector<64x5120xf32>
      %mul3A_339 = arith.mulf %mul3A_337, %mul3A_338 : vector<64x5120xf32>
      %transpose3A_340 = tpu.transpose %add3A_219, [1, 0] : vector<5120x8xf32> -> vector<8x5120xf32>
      %slice3A_341 = vector.extract_strided_slice %transpose3A_340 {offsets = [0, 0], sizes = [1, 5120], strides = [1, 1]} : vector<8x5120xf32> to vector<1x5120xf32>
      %broadcast_in_dim3A_342 = vector.shape_cast %slice3A_341 : vector<1x5120xf32> to vector<1x5120xf32>
      %broadcast_in_dim3A_343 = vector.broadcast %broadcast_in_dim3A_342 : vector<1x5120xf32> to vector<8x5120xf32>
      %slice3A_344 = vector.extract_strided_slice %transpose3A_340 {offsets = [1, 0], sizes = [1, 5120], strides = [1, 1]} : vector<8x5120xf32> to vector<1x5120xf32>
      %broadcast_in_dim3A_345 = vector.shape_cast %slice3A_344 : vector<1x5120xf32> to vector<1x5120xf32>
      %broadcast_in_dim3A_346 = vector.broadcast %broadcast_in_dim3A_345 : vector<1x5120xf32> to vector<8x5120xf32>
      %slice3A_347 = vector.extract_strided_slice %transpose3A_340 {offsets = [2, 0], sizes = [1, 5120], strides = [1, 1]} : vector<8x5120xf32> to vector<1x5120xf32>
      %broadcast_in_dim3A_348 = vector.shape_cast %slice3A_347 : vector<1x5120xf32> to vector<1x5120xf32>
      %broadcast_in_dim3A_349 = vector.broadcast %broadcast_in_dim3A_348 : vector<1x5120xf32> to vector<8x5120xf32>
      %slice3A_350 = vector.extract_strided_slice %transpose3A_340 {offsets = [3, 0], sizes = [1, 5120], strides = [1, 1]} : vector<8x5120xf32> to vector<1x5120xf32>
      %broadcast_in_dim3A_351 = vector.shape_cast %slice3A_350 : vector<1x5120xf32> to vector<1x5120xf32>
      %broadcast_in_dim3A_352 = vector.broadcast %broadcast_in_dim3A_351 : vector<1x5120xf32> to vector<8x5120xf32>
      %slice3A_353 = vector.extract_strided_slice %transpose3A_340 {offsets = [4, 0], sizes = [1, 5120], strides = [1, 1]} : vector<8x5120xf32> to vector<1x5120xf32>
      %broadcast_in_dim3A_354 = vector.shape_cast %slice3A_353 : vector<1x5120xf32> to vector<1x5120xf32>
      %broadcast_in_dim3A_355 = vector.broadcast %broadcast_in_dim3A_354 : vector<1x5120xf32> to vector<8x5120xf32>
      %slice3A_356 = vector.extract_strided_slice %transpose3A_340 {offsets = [5, 0], sizes = [1, 5120], strides = [1, 1]} : vector<8x5120xf32> to vector<1x5120xf32>
      %broadcast_in_dim3A_357 = vector.shape_cast %slice3A_356 : vector<1x5120xf32> to vector<1x5120xf32>
      %broadcast_in_dim3A_358 = vector.broadcast %broadcast_in_dim3A_357 : vector<1x5120xf32> to vector<8x5120xf32>
      %slice3A_359 = vector.extract_strided_slice %transpose3A_340 {offsets = [6, 0], sizes = [1, 5120], strides = [1, 1]} : vector<8x5120xf32> to vector<1x5120xf32>
      %broadcast_in_dim3A_360 = vector.shape_cast %slice3A_359 : vector<1x5120xf32> to vector<1x5120xf32>
      %broadcast_in_dim3A_361 = vector.broadcast %broadcast_in_dim3A_360 : vector<1x5120xf32> to vector<8x5120xf32>
      %slice3A_362 = vector.extract_strided_slice %transpose3A_340 {offsets = [7, 0], sizes = [1, 5120], strides = [1, 1]} : vector<8x5120xf32> to vector<1x5120xf32>
      %broadcast_in_dim3A_363 = vector.shape_cast %slice3A_362 : vector<1x5120xf32> to vector<1x5120xf32>
      %broadcast_in_dim3A_364 = vector.broadcast %broadcast_in_dim3A_363 : vector<1x5120xf32> to vector<8x5120xf32>
      %concatenate3A_365 = tpu.concatenate %broadcast_in_dim3A_343, %broadcast_in_dim3A_346, %broadcast_in_dim3A_349, %broadcast_in_dim3A_352, %broadcast_in_dim3A_355, %broadcast_in_dim3A_358, %broadcast_in_dim3A_361, %broadcast_in_dim3A_364 in 0 : vector<8x5120xf32>, vector<8x5120xf32>, vector<8x5120xf32>, vector<8x5120xf32>, vector<8x5120xf32>, vector<8x5120xf32>, vector<8x5120xf32>, vector<8x5120xf32> -> vector<64x5120xf32>
      %mul3A_366 = arith.mulf %concatenate3A_365, %mul3A_339 : vector<64x5120xf32>
      %swap3A_367 = arith.constant 0 : index
      %swap3A_368 = arith.constant 0 : index
      %swap3A_369 = vector.load %arg15[%swap3A_367, %swap3A_368] : memref<64x5120xf32, #tpu.memory_space<vmem>>, vector<64x5120xf32>
      tpu.vector_store %arg15[%swap3A_367, %swap3A_368], %mul3A_366 {strides = array<i32>} : memref<64x5120xf32, #tpu.memory_space<vmem>>, vector<64x5120xf32>,
    } else {
    }
    %get3A = arith.constant 0 : index
    %get3A_2 = arith.constant 0 : index
    %get3A_3 = vector.load %arg2[%get3A, %get3A_2] : memref<2048x64xf32, #tpu.memory_space<vmem>>, vector<2048x64xf32>
    %get3A_4 = arith.constant 0 : index
    %get3A_5 = arith.constant 0 : index
    %get3A_6 = vector.load %arg5[%get3A_4, %get3A_5] : memref<64x64xf32, #tpu.memory_space<vmem>>, vector<64x64xf32>
    %dot_general3A = arith.constant dense<0.000000e+00> : vector<2048x64xf32>
    %dot_general3A_7 = tpu.matmul %get3A_3, %get3A_6, %dot_general3A {dimension_numbers = #tpu.dot_dimension_numbers<[1], [0], [0], [1], [0, 0, 1, 1], [], []>, transpose_lhs_hint = false} : vector<2048x64xf32>, vector<64x64xf32>, vector<2048x64xf32> -> vector<2048x64xf32>
    %get3A_8 = arith.constant 0 : index
    %get3A_9 = arith.constant 0 : index
    %get3A_10 = vector.load %arg6[%get3A_8, %get3A_9] : memref<1x64xf32, #tpu.memory_space<vmem>>, vector<1x64xf32>
    %add3A = vector.broadcast %get3A_10 : vector<1x64xf32> to vector<2048x64xf32>
    %add3A_11 = arith.addf %dot_general3A_7, %add3A : vector<2048x64xf32>
    %transpose3A = tpu.transpose %add3A_11, [1, 0] : vector<2048x64xf32> -> vector<64x2048xf32>
    %get3A_12 = arith.constant 0 : index
    %get3A_13 = arith.constant 0 : index
    %get3A_14 = vector.load %arg12[%get3A_12, %get3A_13] : memref<64x1xf32, #tpu.memory_space<vmem>>, vector<64x1xf32>
    %slice3A = vector.extract_strided_slice %transpose3A {offsets = [0, 0], sizes = [8, 2048], strides = [1, 1]} : vector<64x2048xf32> to vector<8x2048xf32>
    %mul3A = arith.mulf %slice3A, %slice3A : vector<8x2048xf32>
    %reduce_sum3A = arith.constant dense<0.000000e+00> : vector<2048xf32>
    %reduce_sum3A_15 = vector.multi_reduction <add>, %mul3A, %reduce_sum3A [0] : vector<8x2048xf32> to vector<2048xf32>
    %broadcast_in_dim3A = vector.shape_cast %reduce_sum3A_15 : vector<2048xf32> to vector<1x2048xf32>
    %mul3A_16 = arith.constant 1.250000e-01 : f32
    %mul3A_17 = vector.broadcast %mul3A_16 : f32 to vector<1x2048xf32>
    %mul3A_18 = arith.mulf %broadcast_in_dim3A, %mul3A_17 : vector<1x2048xf32>
    %add3A_19 = arith.constant 9.99999974E-6 : f32
    %add3A_20 = vector.broadcast %add3A_19 : f32 to vector<1x2048xf32>
    %add3A_21 = arith.addf %mul3A_18, %add3A_20 : vector<1x2048xf32>
    %rsqrt3A = math.rsqrt %add3A_21 : vector<1x2048xf32>
    %broadcast_in_dim3A_22 = vector.shape_cast %rsqrt3A : vector<1x2048xf32> to vector<1x2048xf32>
    %broadcast_in_dim3A_23 = vector.broadcast %broadcast_in_dim3A_22 : vector<1x2048xf32> to vector<8x2048xf32>
    %slice3A_24 = vector.extract_strided_slice %transpose3A {offsets = [8, 0], sizes = [8, 2048], strides = [1, 1]} : vector<64x2048xf32> to vector<8x2048xf32>
    %mul3A_25 = arith.mulf %slice3A_24, %slice3A_24 : vector<8x2048xf32>
    %reduce_sum3A_26 = arith.constant dense<0.000000e+00> : vector<2048xf32>
    %reduce_sum3A_27 = vector.multi_reduction <add>, %mul3A_25, %reduce_sum3A_26 [0] : vector<8x2048xf32> to vector<2048xf32>
    %broadcast_in_dim3A_28 = vector.shape_cast %reduce_sum3A_27 : vector<2048xf32> to vector<1x2048xf32>
    %mul3A_29 = arith.constant 1.250000e-01 : f32
    %mul3A_30 = vector.broadcast %mul3A_29 : f32 to vector<1x2048xf32>
    %mul3A_31 = arith.mulf %broadcast_in_dim3A_28, %mul3A_30 : vector<1x2048xf32>
    %add3A_32 = arith.constant 9.99999974E-6 : f32
    %add3A_33 = vector.broadcast %add3A_32 : f32 to vector<1x2048xf32>
    %add3A_34 = arith.addf %mul3A_31, %add3A_33 : vector<1x2048xf32>
    %rsqrt3A_35 = math.rsqrt %add3A_34 : vector<1x2048xf32>
    %broadcast_in_dim3A_36 = vector.shape_cast %rsqrt3A_35 : vector<1x2048xf32> to vector<1x2048xf32>
    %broadcast_in_dim3A_37 = vector.broadcast %broadcast_in_dim3A_36 : vector<1x2048xf32> to vector<8x2048xf32>
    %slice3A_38 = vector.extract_strided_slice %transpose3A {offsets = [16, 0], sizes = [8, 2048], strides = [1, 1]} : vector<64x2048xf32> to vector<8x2048xf32>
    %mul3A_39 = arith.mulf %slice3A_38, %slice3A_38 : vector<8x2048xf32>
    %reduce_sum3A_40 = arith.constant dense<0.000000e+00> : vector<2048xf32>
    %reduce_sum3A_41 = vector.multi_reduction <add>, %mul3A_39, %reduce_sum3A_40 [0] : vector<8x2048xf32> to vector<2048xf32>
    %broadcast_in_dim3A_42 = vector.shape_cast %reduce_sum3A_41 : vector<2048xf32> to vector<1x2048xf32>
    %mul3A_43 = arith.constant 1.250000e-01 : f32
    %mul3A_44 = vector.broadcast %mul3A_43 : f32 to vector<1x2048xf32>
    %mul3A_45 = arith.mulf %broadcast_in_dim3A_42, %mul3A_44 : vector<1x2048xf32>
    %add3A_46 = arith.constant 9.99999974E-6 : f32
    %add3A_47 = vector.broadcast %add3A_46 : f32 to vector<1x2048xf32>
    %add3A_48 = arith.addf %mul3A_45, %add3A_47 : vector<1x2048xf32>
    %rsqrt3A_49 = math.rsqrt %add3A_48 : vector<1x2048xf32>
    %broadcast_in_dim3A_50 = vector.shape_cast %rsqrt3A_49 : vector<1x2048xf32> to vector<1x2048xf32>
    %broadcast_in_dim3A_51 = vector.broadcast %broadcast_in_dim3A_50 : vector<1x2048xf32> to vector<8x2048xf32>
    %slice3A_52 = vector.extract_strided_slice %transpose3A {offsets = [24, 0], sizes = [8, 2048], strides = [1, 1]} : vector<64x2048xf32> to vector<8x2048xf32>
    %mul3A_53 = arith.mulf %slice3A_52, %slice3A_52 : vector<8x2048xf32>
    %reduce_sum3A_54 = arith.constant dense<0.000000e+00> : vector<2048xf32>
    %reduce_sum3A_55 = vector.multi_reduction <add>, %mul3A_53, %reduce_sum3A_54 [0] : vector<8x2048xf32> to vector<2048xf32>
    %broadcast_in_dim3A_56 = vector.shape_cast %reduce_sum3A_55 : vector<2048xf32> to vector<1x2048xf32>
    %mul3A_57 = arith.constant 1.250000e-01 : f32
    %mul3A_58 = vector.broadcast %mul3A_57 : f32 to vector<1x2048xf32>
    %mul3A_59 = arith.mulf %broadcast_in_dim3A_56, %mul3A_58 : vector<1x2048xf32>
    %add3A_60 = arith.constant 9.99999974E-6 : f32
    %add3A_61 = vector.broadcast %add3A_60 : f32 to vector<1x2048xf32>
    %add3A_62 = arith.addf %mul3A_59, %add3A_61 : vector<1x2048xf32>
    %rsqrt3A_63 = math.rsqrt %add3A_62 : vector<1x2048xf32>
    %broadcast_in_dim3A_64 = vector.shape_cast %rsqrt3A_63 : vector<1x2048xf32> to vector<1x2048xf32>
    %broadcast_in_dim3A_65 = vector.broadcast %broadcast_in_dim3A_64 : vector<1x2048xf32> to vector<8x2048xf32>
    %slice3A_66 = vector.extract_strided_slice %transpose3A {offsets = [32, 0], sizes = [8, 2048], strides = [1, 1]} : vector<64x2048xf32> to vector<8x2048xf32>
    %mul3A_67 = arith.mulf %slice3A_66, %slice3A_66 : vector<8x2048xf32>
    %reduce_sum3A_68 = arith.constant dense<0.000000e+00> : vector<2048xf32>
    %reduce_sum3A_69 = vector.multi_reduction <add>, %mul3A_67, %reduce_sum3A_68 [0] : vector<8x2048xf32> to vector<2048xf32>
    %broadcast_in_dim3A_70 = vector.shape_cast %reduce_sum3A_69 : vector<2048xf32> to vector<1x2048xf32>
    %mul3A_71 = arith.constant 1.250000e-01 : f32
    %mul3A_72 = vector.broadcast %mul3A_71 : f32 to vector<1x2048xf32>
    %mul3A_73 = arith.mulf %broadcast_in_dim3A_70, %mul3A_72 : vector<1x2048xf32>
    %add3A_74 = arith.constant 9.99999974E-6 : f32
    %add3A_75 = vector.broadcast %add3A_74 : f32 to vector<1x2048xf32>
    %add3A_76 = arith.addf %mul3A_73, %add3A_75 : vector<1x2048xf32>
    %rsqrt3A_77 = math.rsqrt %add3A_76 : vector<1x2048xf32>
    %broadcast_in_dim3A_78 = vector.shape_cast %rsqrt3A_77 : vector<1x2048xf32> to vector<1x2048xf32>
    %broadcast_in_dim3A_79 = vector.broadcast %broadcast_in_dim3A_78 : vector<1x2048xf32> to vector<8x2048xf32>
    %slice3A_80 = vector.extract_strided_slice %transpose3A {offsets = [40, 0], sizes = [8, 2048], strides = [1, 1]} : vector<64x2048xf32> to vector<8x2048xf32>
    %mul3A_81 = arith.mulf %slice3A_80, %slice3A_80 : vector<8x2048xf32>
    %reduce_sum3A_82 = arith.constant dense<0.000000e+00> : vector<2048xf32>
    %reduce_sum3A_83 = vector.multi_reduction <add>, %mul3A_81, %reduce_sum3A_82 [0] : vector<8x2048xf32> to vector<2048xf32>
    %broadcast_in_dim3A_84 = vector.shape_cast %reduce_sum3A_83 : vector<2048xf32> to vector<1x2048xf32>
    %mul3A_85 = arith.constant 1.250000e-01 : f32
    %mul3A_86 = vector.broadcast %mul3A_85 : f32 to vector<1x2048xf32>
    %mul3A_87 = arith.mulf %broadcast_in_dim3A_84, %mul3A_86 : vector<1x2048xf32>
    %add3A_88 = arith.constant 9.99999974E-6 : f32
    %add3A_89 = vector.broadcast %add3A_88 : f32 to vector<1x2048xf32>
    %add3A_90 = arith.addf %mul3A_87, %add3A_89 : vector<1x2048xf32>
    %rsqrt3A_91 = math.rsqrt %add3A_90 : vector<1x2048xf32>
    %broadcast_in_dim3A_92 = vector.shape_cast %rsqrt3A_91 : vector<1x2048xf32> to vector<1x2048xf32>
    %broadcast_in_dim3A_93 = vector.broadcast %broadcast_in_dim3A_92 : vector<1x2048xf32> to vector<8x2048xf32>
    %slice3A_94 = vector.extract_strided_slice %transpose3A {offsets = [48, 0], sizes = [8, 2048], strides = [1, 1]} : vector<64x2048xf32> to vector<8x2048xf32>
    %mul3A_95 = arith.mulf %slice3A_94, %slice3A_94 : vector<8x2048xf32>
    %reduce_sum3A_96 = arith.constant dense<0.000000e+00> : vector<2048xf32>
    %reduce_sum3A_97 = vector.multi_reduction <add>, %mul3A_95, %reduce_sum3A_96 [0] : vector<8x2048xf32> to vector<2048xf32>
    %broadcast_in_dim3A_98 = vector.shape_cast %reduce_sum3A_97 : vector<2048xf32> to vector<1x2048xf32>
    %mul3A_99 = arith.constant 1.250000e-01 : f32
    %mul3A_100 = vector.broadcast %mul3A_99 : f32 to vector<1x2048xf32>
    %mul3A_101 = arith.mulf %broadcast_in_dim3A_98, %mul3A_100 : vector<1x2048xf32>
    %add3A_102 = arith.constant 9.99999974E-6 : f32
    %add3A_103 = vector.broadcast %add3A_102 : f32 to vector<1x2048xf32>
    %add3A_104 = arith.addf %mul3A_101, %add3A_103 : vector<1x2048xf32>
    %rsqrt3A_105 = math.rsqrt %add3A_104 : vector<1x2048xf32>
    %broadcast_in_dim3A_106 = vector.shape_cast %rsqrt3A_105 : vector<1x2048xf32> to vector<1x2048xf32>
    %broadcast_in_dim3A_107 = vector.broadcast %broadcast_in_dim3A_106 : vector<1x2048xf32> to vector<8x2048xf32>
    %slice3A_108 = vector.extract_strided_slice %transpose3A {offsets = [56, 0], sizes = [8, 2048], strides = [1, 1]} : vector<64x2048xf32> to vector<8x2048xf32>
    %mul3A_109 = arith.mulf %slice3A_108, %slice3A_108 : vector<8x2048xf32>
    %reduce_sum3A_110 = arith.constant dense<0.000000e+00> : vector<2048xf32>
    %reduce_sum3A_111 = vector.multi_reduction <add>, %mul3A_109, %reduce_sum3A_110 [0] : vector<8x2048xf32> to vector<2048xf32>
    %broadcast_in_dim3A_112 = vector.shape_cast %reduce_sum3A_111 : vector<2048xf32> to vector<1x2048xf32>
    %mul3A_113 = arith.constant 1.250000e-01 : f32
    %mul3A_114 = vector.broadcast %mul3A_113 : f32 to vector<1x2048xf32>
    %mul3A_115 = arith.mulf %broadcast_in_dim3A_112, %mul3A_114 : vector<1x2048xf32>
    %add3A_116 = arith.constant 9.99999974E-6 : f32
    %add3A_117 = vector.broadcast %add3A_116 : f32 to vector<1x2048xf32>
    %add3A_118 = arith.addf %mul3A_115, %add3A_117 : vector<1x2048xf32>
    %rsqrt3A_119 = math.rsqrt %add3A_118 : vector<1x2048xf32>
    %broadcast_in_dim3A_120 = vector.shape_cast %rsqrt3A_119 : vector<1x2048xf32> to vector<1x2048xf32>
    %broadcast_in_dim3A_121 = vector.broadcast %broadcast_in_dim3A_120 : vector<1x2048xf32> to vector<8x2048xf32>
    %concatenate3A = tpu.concatenate %broadcast_in_dim3A_23, %broadcast_in_dim3A_37, %broadcast_in_dim3A_51, %broadcast_in_dim3A_65, %broadcast_in_dim3A_79, %broadcast_in_dim3A_93, %broadcast_in_dim3A_107, %broadcast_in_dim3A_121 in 0 : vector<8x2048xf32>, vector<8x2048xf32>, vector<8x2048xf32>, vector<8x2048xf32>, vector<8x2048xf32>, vector<8x2048xf32>, vector<8x2048xf32>, vector<8x2048xf32> -> vector<64x2048xf32>
    %mul3A_122 = arith.mulf %transpose3A, %concatenate3A : vector<64x2048xf32>
    %mul3A_123 = vector.broadcast %get3A_14 : vector<64x1xf32> to vector<64x2048xf32>
    %mul3A_124 = arith.mulf %mul3A_122, %mul3A_123 : vector<64x2048xf32>
    %get3A_125 = arith.constant 0 : index
    %get3A_126 = arith.constant 0 : index
    %get3A_127 = vector.load %arg15[%get3A_125, %get3A_126] : memref<64x5120xf32, #tpu.memory_space<vmem>>, vector<64x5120xf32>
    %dot_general3A_128 = arith.constant dense<0.000000e+00> : vector<2048x5120xf32>
    %dot_general3A_129 = tpu.matmul %mul3A_124, %get3A_127, %dot_general3A_128 {dimension_numbers = #tpu.dot_dimension_numbers<[0], [0], [1], [1], [0, 1, 1, 1], [], []>, transpose_lhs_hint = false} : vector<64x2048xf32>, vector<64x5120xf32>, vector<2048x5120xf32> -> vector<2048x5120xf32>
    %reduce_max3A = arith.constant dense<0xFF800000> : vector<5120xf32>
    %reduce_max3A_130 = vector.multi_reduction <maximumf>, %dot_general3A_129, %reduce_max3A [0] : vector<2048x5120xf32> to vector<5120xf32>
    %broadcast_in_dim3A_131 = vector.shape_cast %reduce_max3A_130 : vector<5120xf32> to vector<1x5120xf32>
    %iota3A = tpu.iota {dimensions = array<i32: 0>} : vector<2048x5120xi32>
    %convert_element_type3A_132 = arith.sitofp %iota3A : vector<2048x5120xi32> to vector<2048x5120xf32>
    %broadcast_in_dim3A_133 = vector.shape_cast %broadcast_in_dim3A_131 : vector<1x5120xf32> to vector<1x5120xf32>
    %broadcast_in_dim3A_134 = vector.broadcast %broadcast_in_dim3A_133 : vector<1x5120xf32> to vector<2048x5120xf32>
    %eq3A_135 = arith.cmpf oeq, %dot_general3A_129, %broadcast_in_dim3A_134 : vector<2048x5120xf32>
    %jit3A = arith.constant 1.000000e+09 : f32
    %broadcast_in_dim3A_136 = vector.broadcast %jit3A : f32 to vector<2048x5120xf32>
    %select_n3A = arith.select %eq3A_135, %convert_element_type3A_132, %broadcast_in_dim3A_136 : vector<2048x5120xi1>, vector<2048x5120xf32>
    %reduce_min3A = arith.constant dense<0x7F800000> : vector<5120xf32>
    %reduce_min3A_137 = vector.multi_reduction <minimumf>, %select_n3A, %reduce_min3A [0] : vector<2048x5120xf32> to vector<5120xf32>
    %broadcast_in_dim3A_138 = vector.shape_cast %reduce_min3A_137 : vector<5120xf32> to vector<1x5120xf32>
    %mul3A_139 = arith.constant 2048 : i32
    %mul3A_140 = arith.muli %arg0, %mul3A_139 : i32
    %convert_element_type3A_141 = arith.sitofp %mul3A_140 : i32 to f32
    %add3A_142 = vector.broadcast %convert_element_type3A_141 : f32 to vector<1x5120xf32>
    %add3A_143 = arith.addf %broadcast_in_dim3A_138, %add3A_142 : vector<1x5120xf32>
    %eq3A_144 = arith.constant 0 : i32
    %eq3A_145 = arith.cmpi eq, %arg0, %eq3A_144 : i32
    %convert_element_type3A_146 = arith.extui %eq3A_145 : i1 to i32
    %cond3A_147 = arith.constant 0 : i32
    %cond3A_148 = arith.cmpi ne, %convert_element_type3A_146, %cond3A_147 : i32
    scf.if %cond3A_148 {
      %swap3A_176 = arith.constant 0 : index
      %swap3A_177 = arith.constant 0 : index
      %swap3A_178 = vector.load %arg16[%swap3A_176, %swap3A_177] : memref<1x5120xf32, #tpu.memory_space<vmem>>, vector<1x5120xf32>
      tpu.vector_store %arg16[%swap3A_176, %swap3A_177], %broadcast_in_dim3A_131 {strides = array<i32>} : memref<1x5120xf32, #tpu.memory_space<vmem>>, vector<1x5120xf32>,
      %swap3A_179 = arith.constant 0 : index
      %swap3A_180 = arith.constant 0 : index
      %swap3A_181 = vector.load %arg17[%swap3A_179, %swap3A_180] : memref<1x5120xf32, #tpu.memory_space<vmem>>, vector<1x5120xf32>
      tpu.vector_store %arg17[%swap3A_179, %swap3A_180], %add3A_143 {strides = array<i32>} : memref<1x5120xf32, #tpu.memory_space<vmem>>, vector<1x5120xf32>,
    } else {
    }
    %gt3A = arith.constant 0 : i32
    %gt3A_149 = arith.cmpi sgt, %arg0, %gt3A : i32
    %convert_element_type3A_150 = arith.extui %gt3A_149 : i1 to i32
    %cond3A_151 = arith.constant 0 : i32
    %cond3A_152 = arith.cmpi ne, %convert_element_type3A_150, %cond3A_151 : i32
    scf.if %cond3A_152 {
      %get3A_176 = arith.constant 0 : index
      %get3A_177 = arith.constant 0 : index
      %get3A_178 = vector.load %arg16[%get3A_176, %get3A_177] : memref<1x5120xf32, #tpu.memory_space<vmem>>, vector<1x5120xf32>
      %gt3A_179 = arith.cmpf ogt, %broadcast_in_dim3A_131, %get3A_178 : vector<1x5120xf32>
      %get3A_180 = arith.constant 0 : index
      %get3A_181 = arith.constant 0 : index
      %get3A_182 = vector.load %arg16[%get3A_180, %get3A_181] : memref<1x5120xf32, #tpu.memory_space<vmem>>, vector<1x5120xf32>
      %select_n3A_183 = arith.select %gt3A_179, %broadcast_in_dim3A_131, %get3A_182 : vector<1x5120xi1>, vector<1x5120xf32>
      %swap3A_184 = arith.constant 0 : index
      %swap3A_185 = arith.constant 0 : index
      %swap3A_186 = vector.load %arg16[%swap3A_184, %swap3A_185] : memref<1x5120xf32, #tpu.memory_space<vmem>>, vector<1x5120xf32>
      tpu.vector_store %arg16[%swap3A_184, %swap3A_185], %select_n3A_183 {strides = array<i32>} : memref<1x5120xf32, #tpu.memory_space<vmem>>, vector<1x5120xf32>,
      %get3A_187 = arith.constant 0 : index
      %get3A_188 = arith.constant 0 : index
      %get3A_189 = vector.load %arg17[%get3A_187, %get3A_188] : memref<1x5120xf32, #tpu.memory_space<vmem>>, vector<1x5120xf32>
      %select_n3A_190 = arith.select %gt3A_179, %add3A_143, %get3A_189 : vector<1x5120xi1>, vector<1x5120xf32>
      %swap3A_191 = arith.constant 0 : index
      %swap3A_192 = arith.constant 0 : index
      %swap3A_193 = vector.load %arg17[%swap3A_191, %swap3A_192] : memref<1x5120xf32, #tpu.memory_space<vmem>>, vector<1x5120xf32>
      tpu.vector_store %arg17[%swap3A_191, %swap3A_192], %select_n3A_190 {strides = array<i32>} : memref<1x5120xf32, #tpu.memory_space<vmem>>, vector<1x5120xf32>,
    } else {
    }
    %get3A_153 = arith.constant 0 : index
    %get3A_154 = arith.constant 0 : index
    %get3A_155 = vector.load %arg2[%get3A_153, %get3A_154] : memref<2048x64xf32, #tpu.memory_space<vmem>>, vector<2048x64xf32>
    %get3A_156 = arith.constant 0 : index
    %get3A_157 = arith.constant 0 : index
    %get3A_158 = vector.load %arg7[%get3A_156, %get3A_157] : memref<64x64xf32, #tpu.memory_space<vmem>>, vector<64x64xf32>
    %dot_general3A_159 = arith.constant dense<0.000000e+00> : vector<2048x64xf32>
    %dot_general3A_160 = tpu.matmul %get3A_155, %get3A_158, %dot_general3A_159 {dimension_numbers = #tpu.dot_dimension_numbers<[1], [0], [0], [1], [0, 0, 1, 1], [], []>, transpose_lhs_hint = false} : vector<2048x64xf32>, vector<64x64xf32>, vector<2048x64xf32> -> vector<2048x64xf32>
    %get3A_161 = arith.constant 0 : index
    %get3A_162 = arith.constant 0 : index
    %get3A_163 = vector.load %arg8[%get3A_161, %get3A_162] : memref<1x64xf32, #tpu.memory_space<vmem>>, vector<1x64xf32>
    %add3A_164 = vector.broadcast %get3A_163 : vector<1x64xf32> to vector<2048x64xf32>
    %add3A_165 = arith.addf %dot_general3A_160, %add3A_164 : vector<2048x64xf32>
    %broadcast_in_dim3A_166 = arith.constant 0.000000e+00 : f32
    %broadcast_in_dim3A_167 = vector.broadcast %broadcast_in_dim3A_166 : f32 to vector<2048x64xf32>
    %concatenate3A_168 = tpu.concatenate %add3A_165, %broadcast_in_dim3A_167 in 1 : vector<2048x64xf32>, vector<2048x64xf32> -> vector<2048x128xf32>
    %swap3A = arith.constant 0 : index
    %swap3A_169 = arith.constant 0 : index
    %swap3A_170 = vector.load %arg14[%swap3A, %swap3A_169] : memref<2048x128xf32, #tpu.memory_space<vmem>>, vector<2048x128xf32>
    tpu.vector_store %arg14[%swap3A, %swap3A_169], %concatenate3A_168 {strides = array<i32>} : memref<2048x128xf32, #tpu.memory_space<vmem>>, vector<2048x128xf32>,
    %eq3A_171 = arith.constant 3 : i32
    %eq3A_172 = arith.cmpi eq, %arg0, %eq3A_171 : i32
    %convert_element_type3A_173 = arith.extui %eq3A_172 : i1 to i32
    %cond3A_174 = arith.constant 0 : i32
    %cond3A_175 = arith.cmpi ne, %convert_element_type3A_173, %cond3A_174 : i32
    scf.if %cond3A_175 {
      %get3A_176 = arith.constant 0 : index
      %get3A_177 = arith.constant 0 : index
      %get3A_178 = vector.load %arg17[%get3A_176, %get3A_177] : memref<1x5120xf32, #tpu.memory_space<vmem>>, vector<1x5120xf32>
      %convert_element_type3A_179 = arith.fptosi %get3A_178 : vector<1x5120xf32> to vector<1x5120xi32>
      %swap3A_180 = arith.constant 0 : index
      %swap3A_181 = arith.constant 0 : index
      %swap3A_182 = vector.load %arg13[%swap3A_180, %swap3A_181] : memref<1x5120xi32, #tpu.memory_space<vmem>>, vector<1x5120xi32>
      tpu.vector_store %arg13[%swap3A_180, %swap3A_181], %convert_element_type3A_179 {strides = array<i32>} : memref<1x5120xi32, #tpu.memory_space<vmem>>, vector<1x5120xi32>,
    } else {
    }
    return
  }
  func.func @transform_0(%arg0: i32) -> (i32, i32, i32) {
    %c0_i32 = arith.constant 0 : i32
    %c0_i32_0 = arith.constant 0 : i32
    %c0_i32_1 = arith.constant 0 : i32
    %c0_i32_2 = arith.constant 0 : i32
    return %c0_i32, %c0_i32_0, %c0_i32_1 : i32, i32, i32
  }
  func.func @transform_1(%arg0: i32) -> (i32, i32) {
    %c0_i32 = arith.constant 0 : i32
    %c0_i32_0 = arith.constant 0 : i32
    return %arg0, %c0_i32 : i32, i32
  }
  func.func @transform_2(%arg0: i32) -> (i32, i32) {
    %c0_i32 = arith.constant 0 : i32
    %c0_i32_0 = arith.constant 0 : i32
    %c0_i32_1 = arith.constant 0 : i32
    return %c0_i32, %c0_i32_0 : i32, i32
  }
  func.func @transform_3(%arg0: i32) -> (i32, i32) {
    %c0_i32 = arith.constant 0 : i32
    %c0_i32_0 = arith.constant 0 : i32
    %c0_i32_1 = arith.constant 0 : i32
    return %c0_i32, %c0_i32_0 : i32, i32
  }
  func.func @transform_4(%arg0: i32) -> (i32, i32) {
    %c0_i32 = arith.constant 0 : i32
    %c0_i32_0 = arith.constant 0 : i32
    %c0_i32_1 = arith.constant 0 : i32
    return %c0_i32, %c0_i32_0 : i32, i32
  }
  func.func @transform_5(%arg0: i32) -> (i32, i32) {
    %c0_i32 = arith.constant 0 : i32
    %c0_i32_0 = arith.constant 0 : i32
    %c0_i32_1 = arith.constant 0 : i32
    return %c0_i32, %c0_i32_0 : i32, i32
  }
  func.func @transform_6(%arg0: i32) -> (i32, i32) {
    %c0_i32 = arith.constant 0 : i32
    %c0_i32_0 = arith.constant 0 : i32
    %c0_i32_1 = arith.constant 0 : i32
    return %c0_i32, %c0_i32_0 : i32, i32
  }
  func.func @transform_7(%arg0: i32) -> (i32, i32) {
    %c0_i32 = arith.constant 0 : i32
    %c0_i32_0 = arith.constant 0 : i32
    %c0_i32_1 = arith.constant 0 : i32
    return %c0_i32, %c0_i32_0 : i32, i32
  }
  func.func @transform_8(%arg0: i32) -> (i32, i32) {
    %c0_i32 = arith.constant 0 : i32
    %c0_i32_0 = arith.constant 0 : i32
    %c0_i32_1 = arith.constant 0 : i32
    return %c0_i32, %c0_i32_0 : i32, i32
  }
  func.func @transform_9(%arg0: i32) -> (i32, i32) {
    %c0_i32 = arith.constant 0 : i32
    %c0_i32_0 = arith.constant 0 : i32
    %c0_i32_1 = arith.constant 0 : i32
    return %c0_i32, %c0_i32_0 : i32, i32
  }
  func.func @transform_10(%arg0: i32) -> (i32, i32) {
    %c0_i32 = arith.constant 0 : i32
    %c0_i32_0 = arith.constant 0 : i32
    %c0_i32_1 = arith.constant 0 : i32
    return %c0_i32, %c0_i32_0 : i32, i32
  }
  func.func @transform_11(%arg0: i32) -> (i32, i32) {
    %c0_i32 = arith.constant 0 : i32
    %c0_i32_0 = arith.constant 0 : i32
    %c0_i32_1 = arith.constant 0 : i32
    return %c0_i32, %c0_i32_0 : i32, i32
  }
  func.func @transform_12(%arg0: i32) -> (i32, i32) {
    %c0_i32 = arith.constant 0 : i32
    %c0_i32_0 = arith.constant 0 : i32
    %c0_i32_1 = arith.constant 0 : i32
    return %c0_i32, %c0_i32_0 : i32, i32
  }
  func.func @transform_13(%arg0: i32) -> (i32, i32) {
    %c0_i32 = arith.constant 0 : i32
    %c0_i32_0 = arith.constant 0 : i32
    return %arg0, %c0_i32 : i32, i32
  }
}

module attributes {stable_mosaic.version = 14 : i64} {
  func.func @_finish_kernel(%arg0: i32, %arg1: memref<1024x128xf32, #tpu.memory_space<vmem>>, %arg2: memref<2x8192xf32, #tpu.memory_space<vmem>>, %arg3: memref<4x64x1024xf32, #tpu.memory_space<vmem>>, %arg4: memref<1x1xf32, #tpu.memory_space<vmem>>) attributes {dimension_semantics = [#tpu.dimension_semantics<arbitrary>], iteration_bounds = array<i64: 1>, scalar_prefetch = 0 : i64, scratch_operands = 0 : i64, tpu.core_type = #tpu.core_type<tc>, window_params = [{pipeline_mode = #tpu.pipeline_mode<synchronous>, transform_indices = @transform_0, window_bounds = array<i64: 1024, 128>}, {pipeline_mode = #tpu.pipeline_mode<synchronous>, transform_indices = @transform_1, window_bounds = array<i64: 2, 8192>}, {pipeline_mode = #tpu.pipeline_mode<synchronous>, transform_indices = @transform_2, window_bounds = array<i64: 4, 64, 1024>}, {pipeline_mode = #tpu.pipeline_mode<synchronous>, transform_indices = @transform_3, window_bounds = array<i64: 1, 1>}]} {
    %get3A = arith.constant 0 : index
    %get3A_0 = arith.constant 0 : index
    %get3A_1 = vector.load %arg1[%get3A, %get3A_0] : memref<1024x128xf32, #tpu.memory_space<vmem>>, vector<1024x64xf32>
    %transpose3A = tpu.transpose %get3A_1, [1, 0] : vector<1024x64xf32> -> vector<64x1024xf32>
    %iota3A = tpu.iota {dimensions = array<i32: 1>} : vector<256x1024xi32>
    %convert_element_type3A = arith.sitofp %iota3A : vector<256x1024xi32> to vector<256x1024xf32>
    %iota3A_2 = tpu.iota {dimensions = array<i32: 0>} : vector<256x1024xi32>
    %convert_element_type3A_3 = arith.sitofp %iota3A_2 : vector<256x1024xi32> to vector<256x1024xf32>
    %add3A = arith.constant 5.000000e-01 : f32
    %add3A_4 = vector.broadcast %add3A : f32 to vector<256x1024xf32>
    %add3A_5 = arith.addf %convert_element_type3A, %add3A_4 : vector<256x1024xf32>
    %mul3A = arith.constant 2.500000e-01 : f32
    %mul3A_6 = vector.broadcast %mul3A : f32 to vector<256x1024xf32>
    %mul3A_7 = arith.mulf %add3A_5, %mul3A_6 : vector<256x1024xf32>
    %sub3A = arith.constant 5.000000e-01 : f32
    %sub3A_8 = vector.broadcast %sub3A : f32 to vector<256x1024xf32>
    %sub3A_9 = arith.subf %mul3A_7, %sub3A_8 : vector<256x1024xf32>
    %jit3A = arith.constant 0.000000e+00 : f32
    %jit3A_10 = arith.constant 2.550000e+02 : f32
    %max3A = vector.broadcast %jit3A : f32 to vector<256x1024xf32>
    %max3A_11 = arith.maximumf %max3A, %sub3A_9 : vector<256x1024xf32>
    %min3A = vector.broadcast %jit3A_10 : f32 to vector<256x1024xf32>
    %min3A_12 = arith.minimumf %min3A, %max3A_11 : vector<256x1024xf32>
    %floor3A = math.floor %min3A_12 : vector<256x1024xf32>
    %sub3A_13 = arith.subf %min3A_12, %floor3A : vector<256x1024xf32>
    %add3A_14 = arith.constant 1.000000e+00 : f32
    %add3A_15 = vector.broadcast %add3A_14 : f32 to vector<256x1024xf32>
    %add3A_16 = arith.addf %floor3A, %add3A_15 : vector<256x1024xf32>
    %min3A_17 = arith.constant 2.550000e+02 : f32
    %min3A_18 = vector.broadcast %min3A_17 : f32 to vector<256x1024xf32>
    %min3A_19 = arith.minimumf %add3A_16, %min3A_18 : vector<256x1024xf32>
    %eq3A = arith.cmpf oeq, %convert_element_type3A_3, %floor3A : vector<256x1024xf32>
    %sub3A_20 = arith.constant 1.000000e+00 : f32
    %sub3A_21 = vector.broadcast %sub3A_20 : f32 to vector<256x1024xf32>
    %sub3A_22 = arith.subf %sub3A_21, %sub3A_13 : vector<256x1024xf32>
    %convert_element_type3A_23 = arith.extui %eq3A : vector<256x1024xi1> to vector<256x1024xi32>
    %convert_element_type3A_24 = arith.sitofp %convert_element_type3A_23 : vector<256x1024xi32> to vector<256x1024xf32>
    %mul3A_25 = arith.mulf %convert_element_type3A_24, %sub3A_22 : vector<256x1024xf32>
    %eq3A_26 = arith.cmpf oeq, %convert_element_type3A_3, %min3A_19 : vector<256x1024xf32>
    %convert_element_type3A_27 = arith.extui %eq3A_26 : vector<256x1024xi1> to vector<256x1024xi32>
    %convert_element_type3A_28 = arith.sitofp %convert_element_type3A_27 : vector<256x1024xi32> to vector<256x1024xf32>
    %mul3A_29 = arith.mulf %convert_element_type3A_28, %sub3A_13 : vector<256x1024xf32>
    %add3A_30 = arith.addf %mul3A_25, %mul3A_29 : vector<256x1024xf32>
    %slice3A = vector.extract_strided_slice %transpose3A {offsets = [0, 0], sizes = [64, 256], strides = [1, 1]} : vector<64x1024xf32> to vector<64x256xf32>
    %dot_general3A = arith.constant dense<0.000000e+00> : vector<64x1024xf32>
    %dot_general3A_31 = tpu.matmul %slice3A, %add3A_30, %dot_general3A {dimension_numbers = #tpu.dot_dimension_numbers<[1], [0], [0], [1], [0, 0, 1, 1], [], []>, transpose_lhs_hint = false} : vector<64x256xf32>, vector<256x1024xf32>, vector<64x1024xf32> -> vector<64x1024xf32>
    %swap3A = arith.constant 0 : index
    %swap3A_32 = arith.constant 0 : index
    %swap3A_33 = arith.constant 0 : index
    %swap3A_34 = vector.load %arg3[%swap3A, %swap3A_32, %swap3A_33] : memref<4x64x1024xf32, #tpu.memory_space<vmem>>, vector<1x64x1024xf32>
    %swap3A_35 = vector.shape_cast %swap3A_34 : vector<1x64x1024xf32> to vector<64x1024xf32>
    %swap3A_36 = vector.shape_cast %dot_general3A_31 : vector<64x1024xf32> to vector<1x64x1024xf32>
    tpu.vector_store %arg3[%swap3A, %swap3A_32, %swap3A_33], %swap3A_36 {strides = array<i32>} : memref<4x64x1024xf32, #tpu.memory_space<vmem>>, vector<1x64x1024xf32>,
    %slice3A_37 = vector.extract_strided_slice %transpose3A {offsets = [0, 256], sizes = [64, 256], strides = [1, 1]} : vector<64x1024xf32> to vector<64x256xf32>
    %dot_general3A_38 = arith.constant dense<0.000000e+00> : vector<64x1024xf32>
    %dot_general3A_39 = tpu.matmul %slice3A_37, %add3A_30, %dot_general3A_38 {dimension_numbers = #tpu.dot_dimension_numbers<[1], [0], [0], [1], [0, 0, 1, 1], [], []>, transpose_lhs_hint = false} : vector<64x256xf32>, vector<256x1024xf32>, vector<64x1024xf32> -> vector<64x1024xf32>
    %swap3A_40 = arith.constant 1 : index
    %swap3A_41 = arith.constant 0 : index
    %swap3A_42 = arith.constant 0 : index
    %swap3A_43 = vector.load %arg3[%swap3A_40, %swap3A_41, %swap3A_42] : memref<4x64x1024xf32, #tpu.memory_space<vmem>>, vector<1x64x1024xf32>
    %swap3A_44 = vector.shape_cast %swap3A_43 : vector<1x64x1024xf32> to vector<64x1024xf32>
    %swap3A_45 = vector.shape_cast %dot_general3A_39 : vector<64x1024xf32> to vector<1x64x1024xf32>
    tpu.vector_store %arg3[%swap3A_40, %swap3A_41, %swap3A_42], %swap3A_45 {strides = array<i32>} : memref<4x64x1024xf32, #tpu.memory_space<vmem>>, vector<1x64x1024xf32>,
    %slice3A_46 = vector.extract_strided_slice %transpose3A {offsets = [0, 512], sizes = [64, 256], strides = [1, 1]} : vector<64x1024xf32> to vector<64x256xf32>
    %dot_general3A_47 = arith.constant dense<0.000000e+00> : vector<64x1024xf32>
    %dot_general3A_48 = tpu.matmul %slice3A_46, %add3A_30, %dot_general3A_47 {dimension_numbers = #tpu.dot_dimension_numbers<[1], [0], [0], [1], [0, 0, 1, 1], [], []>, transpose_lhs_hint = false} : vector<64x256xf32>, vector<256x1024xf32>, vector<64x1024xf32> -> vector<64x1024xf32>
    %swap3A_49 = arith.constant 2 : index
    %swap3A_50 = arith.constant 0 : index
    %swap3A_51 = arith.constant 0 : index
    %swap3A_52 = vector.load %arg3[%swap3A_49, %swap3A_50, %swap3A_51] : memref<4x64x1024xf32, #tpu.memory_space<vmem>>, vector<1x64x1024xf32>
    %swap3A_53 = vector.shape_cast %swap3A_52 : vector<1x64x1024xf32> to vector<64x1024xf32>
    %swap3A_54 = vector.shape_cast %dot_general3A_48 : vector<64x1024xf32> to vector<1x64x1024xf32>
    tpu.vector_store %arg3[%swap3A_49, %swap3A_50, %swap3A_51], %swap3A_54 {strides = array<i32>} : memref<4x64x1024xf32, #tpu.memory_space<vmem>>, vector<1x64x1024xf32>,
    %slice3A_55 = vector.extract_strided_slice %transpose3A {offsets = [0, 768], sizes = [64, 256], strides = [1, 1]} : vector<64x1024xf32> to vector<64x256xf32>
    %dot_general3A_56 = arith.constant dense<0.000000e+00> : vector<64x1024xf32>
    %dot_general3A_57 = tpu.matmul %slice3A_55, %add3A_30, %dot_general3A_56 {dimension_numbers = #tpu.dot_dimension_numbers<[1], [0], [0], [1], [0, 0, 1, 1], [], []>, transpose_lhs_hint = false} : vector<64x256xf32>, vector<256x1024xf32>, vector<64x1024xf32> -> vector<64x1024xf32>
    %swap3A_58 = arith.constant 3 : index
    %swap3A_59 = arith.constant 0 : index
    %swap3A_60 = arith.constant 0 : index
    %swap3A_61 = vector.load %arg3[%swap3A_58, %swap3A_59, %swap3A_60] : memref<4x64x1024xf32, #tpu.memory_space<vmem>>, vector<1x64x1024xf32>
    %swap3A_62 = vector.shape_cast %swap3A_61 : vector<1x64x1024xf32> to vector<64x1024xf32>
    %swap3A_63 = vector.shape_cast %dot_general3A_57 : vector<64x1024xf32> to vector<1x64x1024xf32>
    tpu.vector_store %arg3[%swap3A_58, %swap3A_59, %swap3A_60], %swap3A_63 {strides = array<i32>} : memref<4x64x1024xf32, #tpu.memory_space<vmem>>, vector<1x64x1024xf32>,
    %get3A_64 = arith.constant 0 : index
    %get3A_65 = arith.constant 0 : index
    %get3A_66 = vector.load %arg2[%get3A_64, %get3A_65] : memref<2x8192xf32, #tpu.memory_space<vmem>>, vector<1x8192xf32>
    %get3A_67 = arith.constant 1 : index
    %get3A_68 = arith.constant 0 : index
    %get3A_69 = vector.load %arg2[%get3A_67, %get3A_68] : memref<2x8192xf32, #tpu.memory_space<vmem>>, vector<1x8192xf32>
    %add3A_70 = arith.addf %get3A_66, %get3A_69 : vector<1x8192xf32>
    %reshape3A = vector.shape_cast %add3A_70 : vector<1x8192xf32> to vector<64x128xf32>
    %mul3A_71 = arith.constant 2.44140625E-4 : f32
    %mul3A_72 = vector.broadcast %mul3A_71 : f32 to vector<64x128xf32>
    %mul3A_73 = arith.mulf %reshape3A, %mul3A_72 : vector<64x128xf32>
    %add3A_74 = arith.constant 1.000000e-07 : f32
    %add3A_75 = vector.broadcast %add3A_74 : f32 to vector<64x128xf32>
    %add3A_76 = arith.addf %mul3A_73, %add3A_75 : vector<64x128xf32>
    %log3A = math.log %add3A_76 : vector<64x128xf32>
    %mul3A_77 = arith.mulf %mul3A_73, %log3A : vector<64x128xf32>
    %reduce_sum3A = vector.shape_cast %mul3A_77 : vector<64x128xf32> to vector<1x64x128xf32>
    %reduce_sum3A_78 = arith.constant dense<0.000000e+00> : vector<1xf32>
    %reduce_sum3A_79 = vector.multi_reduction <add>, %reduce_sum3A, %reduce_sum3A_78 [1, 2] : vector<1x64x128xf32> to vector<1xf32>
    %reduce_sum3A_80 = vector.shape_cast %reduce_sum3A_79 : vector<1xf32> to vector<1x1x1xf32>
    %reduce_sum3A_81 = vector.extract %reduce_sum3A_80[0, 0, 0] : f32 from vector<1x1x1xf32>
    %broadcast_in_dim3A = vector.broadcast %reduce_sum3A_81 : f32 to vector<1x1xf32>
    %neg3A = arith.constant 0.000000e+00 : f32
    %neg3A_82 = vector.broadcast %neg3A : f32 to vector<1x1xf32>
    %neg3A_83 = arith.subf %neg3A_82, %broadcast_in_dim3A : vector<1x1xf32>
    %exp3A = math.exp %neg3A_83 : vector<1x1xf32>
    %swap3A_84 = arith.constant 0 : index
    %swap3A_85 = arith.constant 0 : index
    %swap3A_86 = vector.load %arg4[%swap3A_84, %swap3A_85] : memref<1x1xf32, #tpu.memory_space<vmem>>, vector<1x1xf32>
    tpu.vector_store %arg4[%swap3A_84, %swap3A_85], %exp3A {strides = array<i32>} : memref<1x1xf32, #tpu.memory_space<vmem>>, vector<1x1xf32>,
    return
  }
  func.func @transform_0(%arg0: i32) -> (i32, i32) {
    %c0_i32 = arith.constant 0 : i32
    %c0_i32_0 = arith.constant 0 : i32
    %c0_i32_1 = arith.constant 0 : i32
    return %c0_i32, %c0_i32_0 : i32, i32
  }
  func.func @transform_1(%arg0: i32) -> (i32, i32) {
    %c0_i32 = arith.constant 0 : i32
    %c0_i32_0 = arith.constant 0 : i32
    %c0_i32_1 = arith.constant 0 : i32
    return %c0_i32, %c0_i32_0 : i32, i32
  }
  func.func @transform_2(%arg0: i32) -> (i32, i32, i32) {
    %c0_i32 = arith.constant 0 : i32
    %c0_i32_0 = arith.constant 0 : i32
    %c0_i32_1 = arith.constant 0 : i32
    %c0_i32_2 = arith.constant 0 : i32
    return %c0_i32, %c0_i32_0, %c0_i32_1 : i32, i32, i32
  }
  func.func @transform_3(%arg0: i32) -> (i32, i32) {
    %c0_i32 = arith.constant 0 : i32
    %c0_i32_0 = arith.constant 0 : i32
    %c0_i32_1 = arith.constant 0 : i32
    return %c0_i32, %c0_i32_0 : i32, i32
  }
}

</mosaic_0001>

<sc_bundles>
// kernel: _run.5.cloned.1.call-start
scs
__scs_entry_jumppad:
0x0: {  	(pc) =	sbr.rel $0x88, $3  }
0x1: {  	(tag) =	ssettag $0x0;
	lr =	simm.s32 $0x1  }
0x2: {  	[smem:$0x3F95] =	sst lr;
	_ =	strace $0xD0000000  }
0x3: {  	_ = 	snop  }
0x4: {  	_ = 	snop  }
0x5: {  	_ = 	snop  }
0x6: {  	_ = 	snop  }
0x7: {  	_ = 	snop  }
__scs_overlays_trampoline_lowered:
0x8: {  	[smem:$0x3FA4] =	sst s0  }
0x9: {  	[smem:$0x3FA5] =	sst s1  }
0xa: {  	[smem:$0x3FA6] =	sst s2  }
0xb: {  	[smem:$0x3FA7] =	sst s3  }
0xc: {  	[smem:$0x3FA8] =	sst s4  }
0xd: {  	[smem:$0x3FA9] =	sst s5  }
0xe: {  	[smem:$0x3FAA] =	sst s6  }
0xf: {  	[smem:$0x3FAB] =	sst s7  }
0x10: {  	[smem:$0x3FAC] =	sst s8  }
0x11: {  	[smem:$0x3FAD] =	sst s9;
	s0 =	simm.s32 @!p0 $0x0  }
0x12: {  	s1 =	sld [smem:$0x3F93];
	s0 =	simm.s32 @p0 $0x1  }
0x13: {  	[smem:$0x3FAE] =	sst s0;
	s0 =	simm.s32 @!p1 $0x0  }
0x14: {  	s2 =	sld [smem:$0x3F92];
	s0 =	simm.s32 @p1 $0x1  }
0x15: {  	[smem:$0x3FAF] =	sst s0;
	s0 =	simm.s32 @!p2 $0x0  }
0x16: {  	s3 =	sld [smem:$0x3FDB];
	s0 =	simm.s32 @p2 $0x1  }
0x17: {  	s4 =	simm.s32 $0x1BF5;
	[smem:$0x3FB1] =	sst s0  }
0x18: {  	s0 =	sld [smem:$0x3F94];
	_ =	swait.ge [sflag:s4], $0x0  }
0x19: {  	s7 =	sld [smem:$0x3F95]  }
0x1a: {  	s8 =	sadd.s32 $0xFFFFE003, lr  }
0x1b: {  	s9 =	sadd.s32 $0xFFFFFEF7, lr;
	s5 =	simm.s32 $0xFFFFFFFF;
	p2 =	slt.u32 s8, $0xFFFFF086  }
0x1c: {  	p1 =	slt.u32 s9, $0xF7A;
	s5 =	simm.s32 @!p2 $0x0  }
0x1d: {  	s5 =	simm.s32 @p1 $0x1;
	p0 =	seq.s32 s7, s2  }
0x1e: {  	s7 =	smul.u32 @!p0 $0xF7A, s2;
	p2 =	seq.s32 @!p0 s5, $0x0  }
0x1f: {  	s9 =	smul.u32 $0xF7A, s1;
	s8 =	simm.s32 @!p0 $0x1BF5;
	p2 =	por !p2, p0  }
0x20: {  	[sflag:s8] =	ssyncset.s32 @!p0 $0xFFFFF086;
	s6 =	sadd.s32 @!p0 s3, s7;
	s7 =	simm.s32 @!p0 $0x108  }
0x21: {  	s3 =	sadd.s32 s3, s9;
	s6 =	sadd.s32 @!p0 $0x88, s6;
	s7 =	simm.s32 @p2 $0x1082  }
0x22: {  	[simem:s7], [sflag:s8] =	dma.local @!p0 [hbm:s6], $0xF7A  }
0x23: {  	s9 =	sor.u32 $0xD0000000, s2;
	s6 =	simm.s32 $0x108;
	_ =	swait.ge @!p0 [sflag:s8], $0x0  }
0x24: {  	s3 =	sadd.s32 $0x88, s3;
	s6 =	simm.s32 @!p1 $0x1082;
	[sflag:s4] =	ssyncset.s32 $0xFFFFF086  }
0x25: {  	[simem:s6], [sflag:s4] =	dma.local [hbm:s3], $0xF7A  }
0x26: {  	[smem:$0x3F95] =	sst s1;
	(tag) =	ssettag s2;
	_ =	strace s9  }
0x27: {  	s1 =	sld [smem:$0x3FA5]  }
0x28: {  	s2 =	sld [smem:$0x3FA6]  }
0x29: {  	s4 =	sld [smem:$0x3FA8]  }
0x2a: {  	p0 =	seq.s32 s5, $0x0;
	s5 =	sld [smem:$0x3FA9]  }
0x2b: {  	s6 =	sld [smem:$0x3FAA]  }
0x2c: {  	s7 =	sld [smem:$0x3FAB]  }
0x2d: {  	s3 =	simm.s32 $0x108;
	s8 =	sld [smem:$0x3FAC]  }
0x2e: {  	s3 =	simm.s32 @!p0 $0x1082;
	s9 =	sld [smem:$0x3FAD]  }
0x2f: {  	lr =	sadd.s32 s0, s3;
	s0 =	sld [smem:$0x3FA4]  }
0x30: {  	s3 =	sld [smem:$0x3FA7]  }
0x31: {  	[smem:$0x3FB0] =	sst s10  }
0x32: {  	s10 =	sld [smem:$0x3FAE];
	_ =	sdelay $0x3  }
0x33: {  	p0 =	seq.s32 s10, $0x1;
	s10 =	sld [smem:$0x3FB0];
	_ =	sdelay $0x3  }
0x34: {  	[smem:$0x3FB0] =	sst s10  }
0x35: {  	s10 =	sld [smem:$0x3FAF];
	_ =	sdelay $0x3  }
0x36: {  	p1 =	seq.s32 s10, $0x1;
	s10 =	sld [smem:$0x3FB0];
	_ =	sdelay $0x3  }
0x37: {  	[smem:$0x3FB0] =	sst s10  }
0x38: {  	s10 =	sld [smem:$0x3FB1]  }
0x39: {  	_ = 	snop;
	(pc) =	sbr.ind lr, $3  }
0x3a: {  	_ = 	snop  }
0x3b: {  	_ = 	snop  }
0x3c: {  	p2 =	seq.s32 s10, $0x1;
	s10 =	sld [smem:$0x3FB0]  }
0x3d: {  	_ =	shalt  }
0x3e: {  	_ =	shalt  }
0x3f: {  	_ =	shalt  }
0x40: {  	_ =	shalt  }
0x41: {  	_ =	shalt  }
0x42: {  	_ =	shalt  }
0x43: {  	_ =	shalt  }
0x44: {  	_ =	shalt  }
0x45: {  	_ =	shalt  }
0x46: {  	_ =	shalt  }
0x47: {  	_ =	shalt  }
0x48: {  	_ =	shalt  }
0x49: {  	_ =	shalt  }
0x4a: {  	_ =	shalt  }
0x4b: {  	_ =	shalt  }
0x4c: {  	_ =	shalt  }
0x4d: {  	_ =	shalt  }
0x4e: {  	_ =	shalt  }
0x4f: {  	_ =	shalt  }
0x50: {  	_ =	shalt  }
0x51: {  	_ =	shalt  }
0x52: {  	_ =	shalt  }
0x53: {  	_ =	shalt  }
0x54: {  	_ =	shalt  }
0x55: {  	_ =	shalt  }
0x56: {  	_ =	shalt  }
0x57: {  	_ =	shalt  }
0x58: {  	_ =	shalt  }
0x59: {  	_ =	shalt  }
0x5a: {  	_ =	shalt  }
0x5b: {  	_ =	shalt  }
0x5c: {  	_ =	shalt  }
0x5d: {  	_ =	shalt  }
0x5e: {  	_ =	shalt  }
0x5f: {  	_ =	shalt  }
0x60: {  	_ =	shalt  }
0x61: {  	_ =	shalt  }
0x62: {  	_ =	shalt  }
0x63: {  	_ =	shalt  }
0x64: {  	_ =	shalt  }
0x65: {  	_ =	shalt  }
0x66: {  	_ =	shalt  }
0x67: {  	_ =	shalt  }
0x68: {  	_ =	shalt  }
0x69: {  	_ =	shalt  }
0x6a: {  	_ =	shalt  }
0x6b: {  	_ =	shalt  }
0x6c: {  	_ =	shalt  }
0x6d: {  	_ =	shalt  }
0x6e: {  	_ =	shalt  }
0x6f: {  	_ =	shalt  }
0x70: {  	_ =	shalt  }
0x71: {  	_ =	shalt  }
0x72: {  	_ =	shalt  }
0x73: {  	_ =	shalt  }
0x74: {  	_ =	shalt  }
0x75: {  	_ =	shalt  }
0x76: {  	_ =	shalt  }
0x77: {  	_ =	shalt  }
0x78: {  	_ =	shalt  }
0x79: {  	_ =	shalt  }
0x7a: {  	_ =	shalt  }
0x7b: {  	_ =	shalt  }
0x7c: {  	_ =	shalt  }
0x7d: {  	_ =	shalt  }
0x7e: {  	_ =	shalt  }
0x7f: {  	_ =	shalt  }
0x80: {  	_ =	shalt  }
0x81: {  	_ =	shalt  }
0x82: {  	_ =	shalt  }
0x83: {  	_ =	shalt  }
0x84: {  	_ =	shalt  }
0x85: {  	_ =	shalt  }
0x86: {  	_ =	shalt  }
0x87: {  	_ =	shalt  }
.Lfunc_end0:
.L_simem_size_0:
called_computation_lowered:
.L_overlay_start_0:
0x88: {  	s2 =	sld [smem:$0x3FD9]  }
0x89: {  	s3 =	sld [smem:$0x3FFE];
	_ =	sdelay $0x1  }
0x8a: {  	s1 =	srdreg.scid  }
0x8b: {  	s0 =	sand.u32 $0x1, s1  }
0x8c: {  	s14 =	sshll.u32 s0, $0xA;
	s2 =	sadd.s32 s3, s2  }
0x8d: {  	s2 =	sadd.s32 s2, s14  }
0x8e: {  	[smem:$0x3FBC] =	sst s2  }
0x8f: {  	_ = 	snop  }
0x90: {  	s2 =	sld [smem:$0x3FD0];
	_ =	sdelay $0x2  }
0x91: {  	s15 =	simm.s32 $0xA;
	s4 =	simm.s32 $0x10  }
0x92: {  	[smem:s4], [sflag:s15] =	dma.local [hbm:s2], $0x1  }
0x93: {  	_ =	swait.eq [sflag:s15], $0x1  }
0x94: {  	[sflag:s15] =	ssyncset.done $0x0  }
0x95: {  	[sflag:s15] =	ssyncadd.s32 $0xFFFFFFFF  }
0x96: {  	s16 =	sld [smem:$0x10];
	(tm) =	ssettm $0x1  }
0x97: {  	s17 =	sld [smem:$0x3FFB];
	_ =	sdelay $0x3  }
0x98: {  	_ =	strace s17  }
0x99: {  	s3 =	sld [smem:$0x3FFC];
	_ =	sdelay $0x3  }
0x9a: {  	_ =	strace s3  }
0x9b: {  	s3 =	sld [smem:$0x3FFD];
	_ =	sdelay $0x3  }
0x9c: {  	_ =	strace s3  }
0x9d: {  	_ =	strace $0x8FFFFFFF  }
0x9e: {  	s18 =	sld [smem:$0x3FDB];
	_ =	sdelay $0x1  }
0x9f: {  	s19 =	simm.s32 $_scs_section_size  }
0xa0: {  	s5 =	simm.s32 $_size__tile_overlayer_lowered;
	s6 =	simm.s32 $_tile_overlayer_lowered  }
0xa1: {  	s22 =	simm.s32 $0x1BFF;
	s21 =	sshll.u32 s6, $0x1;
	s3 =	sadd.s32 s19, s18  }
0xa2: {  	s7 =	simm.s32 $0x0;
	s20 =	sshll.u32 s5, $0x1;
	s5 =	sadd.s32 s21, s3  }
0xa3: {  	[timem:s7], [sflag:s22] =	dma.local [hbm:s5], s20  }
0xa4: {  	_ =	swait.ge [sflag:s22], s20  }
0xa5: {  	s4 =	ssub.s32 $0x0, s20;
	[sflag:s22] =	ssyncset.done $0x0  }
0xa6: {  	[sflag:s22] =	ssyncadd.s32 s4;
	_ =	sdelay $0x1  }
0xa7: {  	s23 =	simm.s32 $0x1B8B  }
0xa8: {  	_ =	swait.ge [sflag:s23], $0x1  }
0xa9: {  	[sflag:s23] =	ssyncset.done $0x0  }
0xaa: {  	s25 =	simm.s32 $0x1B8E;
	s24 =	sld [smem:$0x3FFE];
	[sflag:s23] =	ssyncadd.s32 $0xFFFFFFFF  }
0xab: {  	s26 =	simm.s32 $execute0_lowered;
	[smem:$0x3FD2] =	sst s25  }
0xac: {  	s5 =	sshll.u32 s26, $0x1;
	_ =	strace $0x80000046;
	[dreg:$0x1] =	wrdreg $0xFFFFFFFF  }
0xad: {  	s28 =	simm.s32 $_size_execute0_lowered;
	s3 =	sadd.s32 s3, s5;
	[dreg:$0x0] =	wrdreg $0x0  }
0xae: {  	s5 =	sshll.u32 s28, $0x1;
	[dreg:$0x2] =	wrdreg s3  }
0xaf: {  	[dreg:$0x3] =	wrdreg s5  }
0xb0: {  	[dreg:$0x4] =	wrdreg $0xC0  }
0xb1: {  	_ =	task [dreg:s7], $0x5FFFF  }
0xb2: {  	[dreg:$0x1] =	wrdreg $0xFFFFFFFF  }
0xb3: {  	[dreg:$0x0] =	wrdreg $0x60  }
0xb4: {  	[dreg:$0x2] =	wrdreg s24  }
0xb5: {  	[dreg:$0x3] =	wrdreg s16  }
0xb6: {  	[dreg:$0x4] =	wrdreg $0x13800  }
0xb7: {  	[dreg:$0x5] =	wrdreg $0x9  }
0xb8: {  	_ =	task.clear_ibuf [dreg:s7], $0x6FFFF;
	_ =	strace $0x90000046  }
0xb9: {  	s29 =	simm.s32 $0x9;
	_ =	strace $0x80000048  }
0xba: {  	_ =	swait.ge [sflag:s29], $0x1  }
0xbb: {  	[sflag:s29] =	ssyncadd.s32 $0xFFFFFFFF  }
0xbc: {  	_ =	strace $0x90000048  }
0xbd: {  	_ =	sfence  }
0xbe: {  	s30 =	sld [smem:$0x0];
	_ =	sdelay $0x2  }
0xbf: {  	s31 =	sshll.u32 s1, $0xD;
	s1 =	sshrl.u32 s1, $0x2  }
0xc0: {  	s3 =	sand.u32 $0x4000, s31;
	s1 =	sadd.s32 s1, s30  }
0xc1: {  	s0 =	sor.u32 s3, s0;
	s1 =	sshll.u32 s1, $0x11  }
0xc2: {  	s0 =	sor.u32 s1, s0  }
0xc3: {  	s0 =	sadd.s32 $0x8F2B, s0  }
0xc4: {  	[sflag:s0] =	ssyncadd.remote.s32 $0x1  }
0xc5: {  	_ =	sfence.sel $0xFFFF  }
0xc6: {  	[dreg:$0x0] =	wrdreg $0xFFFFFFFF;
	(pc) =	sbr.abs _section_cstart, $3  }
0xc7: {  	[dreg:$0x1] =	wrdreg $0xFFFFFFFF  }
0xc8: {  	_ =	task.clear_ibuf [dreg:s7], $0x2FFFF;
	_ =	strace $0x9FFFFFFF  }
0xc9: {  	(tm) =	ssettm $0x7FFFFFFF  }
tec
execute0_lowered:
.L_overlay_start_1:
0x0: {  	(tag) =	ssettag $0x1  }
0x1: {  	s11 =	rddreg [dreg:$0x0]  }
0x2: {  	s1 =	srdreg.scid;
	s0 =	stileid.u32  }
0x3: {  	s10 =	rddreg [dreg:$0x1];
	s12 =	sand.u32 $0x1, s1;
	s28 =	sshll.u32 s0, $0x1  }
0x4: {  	s3 =	rddreg [dreg:$0x2];
	s13 =	sor.u32 s12, s28  }
0x5: {  	s5 =	simm.s32 $0x0;
	s1 =	rddreg [dreg:$0x3];
	s2 =	sshll.u32 s13, $0x2  }
0x6: {  	[smem:$0x7FF] =	sst s5;
	s2 =	sadd.s32 s2, s11  }
0x7: {  	_ =	strace $0x80000047;
	s6 =	sadd.s32 $0x21C00, s2;
	s2 =	simm.s32 $0x2  }
0x8: {  	[tilespmem:s5], [sflag:$0x2] =	stream.linear.gather [hbm4b:s6+s5], $0x20, $0x38;
	[tilespmem:$0x1580] =	vst v63  }
0x9: {  	_ =	swait.ge [sflag:s2], $0x20  }
0xa: {  	s8 =	simm.s32 $0x20;
	s4 =	simm.s32 $0x80;
	[sflag:s2] =	ssyncset.done $0x0  }
0xb: {  	s9 =	simm.s32 $0x1;
	s7 =	sadd.s32 $0x1C00, s11;
	[sflag:s2] =	ssyncadd.s32 $0xFFFFFFE0  }
0xc: {  	[tilespmem:s4], [sflag:$0x1] =	stream.indirect.gather [hbm4b:s7+s8], $0x80, s5, s8, $0xb8;
	[tilespmem:$0x1580] =	vst v63  }
0xd: {  	_ =	swait.ge [sflag:s9], $0x1000  }
0xe: {  	s14 =	sshll.u32 s13, $0x9;
	[sflag:s9] =	ssyncset.done $0x0  }
0xf: {  	s10 =	sadd.s32 s10, s14;
	[sflag:s9] =	ssyncadd.s32 $0xFFFFF000  }
0x10: {  	[hbm4b:s10+s5] =	stream.linear.scatter [tilespmem:s4], [sflag:$0x2], $0x1000, $0x38;
	[tilespmem:$0x1580] =	vst v63  }
0x11: {  	_ =	swait.ge [sflag:s2], $0x1000  }
0x12: {  	[sflag:s2] =	ssyncset.done $0x0  }
0x13: {  	v1 =	vimm.f32 $1.000000000e+00;
	[sflag:s2] =	ssyncadd.s32 $0xFFFFF000  }
0x14: {  	[tilespmem:$0x1170] =	vst v1  }
0x15: {  	[tilespmem:$0x1160] =	vst v1  }
0x16: {  	[tilespmem:$0x1150] =	vst v1  }
0x17: {  	[tilespmem:$0x1140] =	vst v1  }
0x18: {  	[tilespmem:$0x1130] =	vst v1  }
0x19: {  	[tilespmem:$0x1120] =	vst v1  }
0x1a: {  	[tilespmem:$0x1110] =	vst v1  }
0x1b: {  	v0 =	vimm.f32 $0.0e+00;
	[tilespmem:$0x1100] =	vst v1  }
0x1c: {  	[tilespmem:$0x1370] =	vst v0  }
0x1d: {  	[tilespmem:$0x1360] =	vst v0  }
0x1e: {  	[tilespmem:$0x1350] =	vst v0  }
0x1f: {  	[tilespmem:$0x1340] =	vst v0  }
0x20: {  	s30 =	ssub.s32 $0x2, s12;
	[tilespmem:$0x1330] =	vst v0  }
0x21: {  	s29 =	sshll.u32 s12, $0x4;
	s12 =	sshrl.u32 s30, $0x1;
	[tilespmem:$0x1320] =	vst v0  }
0x22: {  	s17 =	ssub.s32 s30, s12;
	[tilespmem:$0x1310] =	vst v0  }
0x23: {  	s18 =	smax.u32 s17, $0x1;
	[tilespmem:$0x1300] =	vst v0  }
0x24: {  	p0 =	sne.s32 s18, $0x1;
	[tilespmem:$0x12F0] =	vst v0  }
.Ltmp0:
0x25: {  	s15 =	sshll.u32 s0, $0x9;
	s13 =	sshll.u32 s13, $0x4;
	[tilespmem:$0x12E0] =	vst v0;
	(pc) =	sbr.rel @!p0 .LBB2_2-.Ltmp0, $4  }
0x26: {  	s16 =	sshll.u32 s0, $0x7;
	s13 =	sadd.s32 s13, s11;
	s14 =	sadd.s32 s29, s11;
	[tilespmem:$0x12D0] =	vst v0  }
0x27: {  	s11 =	sadd.s32 s15, s3;
	s31 =	sadd.s32 s16, s14;
	s15 =	sadd.s32 $0x21E00, s13;
	[tilespmem:$0x12C0] =	vst v0  }
0x28: {  	s13 =	simm.s32 $0x1180;
	s16 =	simm.s32 $0x1080;
	s17 =	simm.s32 $0x1100;
	[tilespmem:$0x12B0] =	vst v0  }
0x29: {  	s14 =	simm.s32 $0x100;
	s12 =	sadd.s32 $0x22000, s31;
	s18 =	sadd.s32 $0xFFFFFFFF, s18;
	[tilespmem:$0x12A0] =	vst v0  }
.LBB2_1:
0x2a: {  	p0 =	sne.s32 s18, $0x1;
	s18 =	sadd.s32 $0xFFFFFFFF, s18;
	[tilespmem:$0x1290] =	vst v0  }
0x2b: {  	[tilespmem:$0x1280] =	vst v0  }
0x2c: {  	[tilespmem:$0x1270] =	vst v0  }
0x2d: {  	[tilespmem:$0x1260] =	vst v0  }
0x2e: {  	[tilespmem:$0x1250] =	vst v0  }
0x2f: {  	[tilespmem:$0x1240] =	vst v0  }
0x30: {  	[tilespmem:$0x1230] =	vst v0  }
0x31: {  	[tilespmem:$0x1220] =	vst v0  }
0x32: {  	[tilespmem:$0x1210] =	vst v0  }
0x33: {  	[tilespmem:$0x1200] =	vst v0  }
0x34: {  	[tilespmem:$0x11F0] =	vst v0  }
0x35: {  	[tilespmem:$0x11E0] =	vst v0  }
0x36: {  	[tilespmem:$0x11D0] =	vst v0  }
0x37: {  	[tilespmem:$0x11C0] =	vst v0  }
0x38: {  	[tilespmem:$0x11B0] =	vst v0  }
0x39: {  	[tilespmem:$0x11A0] =	vst v0  }
0x3a: {  	[tilespmem:$0x1180] =	vst v0  }
0x3b: {  	[tilespmem:$0x1190] =	vst v0  }
0x3c: {  	[spmem:s11] =	stream.linear.scatter [tilespmem:s13], [sflag:$0x2], $0x200, $0x38;
	[tilespmem:$0x1580] =	vst v63  }
0x3d: {  	_ =	swait.ge [sflag:s2], $0x200  }
0x3e: {  	[sflag:s2] =	ssyncset.done $0x0  }
0x3f: {  	[sflag:s2] =	ssyncadd.s32 $0xFFFFFE00  }
0x40: {  	[bflag:$0x0] =	sbarrier.arrive $0xFFFF  }
0x41: {  	[tilespmem:s16], [sflag:$0x2] =	stream.linear.gather [hbm4b:s15+s5], $0x80, $0x38;
	[tilespmem:$0x1580] =	vst v63  }
0x42: {  	_ =	swait.ge [sflag:s2], $0x80  }
0x43: {  	[sflag:s2] =	ssyncset.done $0x0  }
0x44: {  	[sflag:s2] =	ssyncadd.s32 $0xFFFFFF80  }
0x45: {  	[spmem:s3] =	stream.indirect.scatter.add.f32 [tilespmem:s17], [sflag:$0x2], $0x1, s16, s4, $0xb8;
	[tilespmem:$0x1580] =	vst v63  }
0x46: {  	_ =	swait.ge [sflag:s2], $0x80  }
0x47: {  	[sflag:s2] =	ssyncset.done $0x0  }
0x48: {  	[sflag:s2] =	ssyncadd.s32 $0xFFFFFF80  }
0x49: {  	[bflag:$0x0] =	sbarrier.arrive $0xFFFF  }
0x4a: {  	[tilespmem:s13], [sflag:$0x2] =	stream.linear.gather [spmem:s11], $0x200, $0x38;
	[tilespmem:$0x1580] =	vst v63  }
0x4b: {  	_ =	swait.ge [sflag:s2], $0x200  }
0x4c: {  	[sflag:s2] =	ssyncset.done $0x0  }
0x4d: {  	[sflag:s2] =	ssyncadd.s32 $0xFFFFFE00  }
0x4e: {  	[hbm4b:s12+s4] =	stream.strided.scatter [tilespmem:s13], [sflag:$0x2], $0x200, s14, s4, $0x38;
	[tilespmem:$0x1580] =	vst v63  }
0x4f: {  	_ =	swait.ge [sflag:s2], $0x200  }
0x50: {  	[sflag:s2] =	ssyncset.done $0x0  }
0x51: {  	[sflag:s2] =	ssyncadd.s32 $0xFFFFFE00  }
0x52: {  	[tilespmem:s5], [sflag:$0x2] =	stream.linear.gather [hbm4b:s6+s5], $0x20, $0x38;
	[tilespmem:$0x1580] =	vst v63  }
0x53: {  	_ =	swait.ge [sflag:s2], $0x20  }
0x54: {  	[sflag:s2] =	ssyncset.done $0x0  }
0x55: {  	[sflag:s2] =	ssyncadd.s32 $0xFFFFFFE0  }
0x56: {  	[tilespmem:s4], [sflag:$0x1] =	stream.indirect.gather [hbm4b:s7+s8], $0x80, s5, s8, $0xb8;
	[tilespmem:$0x1580] =	vst v63  }
0x57: {  	_ =	swait.ge [sflag:s9], $0x1000  }
0x58: {  	[sflag:s9] =	ssyncset.done $0x0  }
0x59: {  	[sflag:s9] =	ssyncadd.s32 $0xFFFFF000  }
0x5a: {  	[hbm4b:s10+s5] =	stream.linear.scatter [tilespmem:s4], [sflag:$0x2], $0x1000, $0x38;
	[tilespmem:$0x1580] =	vst v63  }
0x5b: {  	_ =	swait.ge [sflag:s2], $0x1000  }
0x5c: {  	[sflag:s2] =	ssyncset.done $0x0  }
0x5d: {  	[sflag:s2] =	ssyncadd.s32 $0xFFFFF000  }
0x5e: {  	[tilespmem:$0x1170] =	vst v1  }
0x5f: {  	[tilespmem:$0x1160] =	vst v1  }
0x60: {  	[tilespmem:$0x1150] =	vst v1  }
0x61: {  	[tilespmem:$0x1140] =	vst v1  }
0x62: {  	[tilespmem:$0x1130] =	vst v1  }
0x63: {  	[tilespmem:$0x1120] =	vst v1  }
0x64: {  	[tilespmem:$0x1110] =	vst v1  }
0x65: {  	[tilespmem:$0x1100] =	vst v1  }
0x66: {  	[tilespmem:$0x1370] =	vst v0  }
0x67: {  	[tilespmem:$0x1360] =	vst v0  }
0x68: {  	[tilespmem:$0x1350] =	vst v0  }
0x69: {  	[tilespmem:$0x1340] =	vst v0  }
0x6a: {  	[tilespmem:$0x1330] =	vst v0  }
0x6b: {  	[tilespmem:$0x1320] =	vst v0  }
0x6c: {  	[tilespmem:$0x1310] =	vst v0  }
0x6d: {  	[tilespmem:$0x1300] =	vst v0  }
0x6e: {  	[tilespmem:$0x12F0] =	vst v0  }
.Ltmp1:
0x6f: {  	[tilespmem:$0x12E0] =	vst v0;
	(pc) =	sbr.rel @p0 .LBB2_1-.Ltmp1, $4  }
0x70: {  	[tilespmem:$0x12D0] =	vst v0  }
0x71: {  	[tilespmem:$0x12C0] =	vst v0  }
0x72: {  	[tilespmem:$0x12B0] =	vst v0  }
0x73: {  	[tilespmem:$0x12A0] =	vst v0  }
.LBB2_2:
0x74: {  	[tilespmem:$0x1290] =	vst v0  }
0x75: {  	[tilespmem:$0x1280] =	vst v0  }
0x76: {  	[tilespmem:$0x1270] =	vst v0  }
0x77: {  	[tilespmem:$0x1260] =	vst v0  }
0x78: {  	[tilespmem:$0x1250] =	vst v0  }
0x79: {  	[tilespmem:$0x1240] =	vst v0  }
0x7a: {  	[tilespmem:$0x1230] =	vst v0  }
0x7b: {  	[tilespmem:$0x1220] =	vst v0  }
0x7c: {  	[tilespmem:$0x1210] =	vst v0  }
0x7d: {  	[tilespmem:$0x1200] =	vst v0  }
0x7e: {  	[tilespmem:$0x11F0] =	vst v0  }
0x7f: {  	[tilespmem:$0x11E0] =	vst v0  }
0x80: {  	[tilespmem:$0x11D0] =	vst v0  }
0x81: {  	[tilespmem:$0x11C0] =	vst v0  }
0x82: {  	[tilespmem:$0x11B0] =	vst v0  }
0x83: {  	[tilespmem:$0x11A0] =	vst v0  }
0x84: {  	[tilespmem:$0x1180] =	vst v0  }
0x85: {  	[tilespmem:$0x1190] =	vst v0  }
0x86: {  	[spmem:s11] =	stream.linear.scatter [tilespmem:s13], [sflag:$0x2], $0x200, $0x38;
	[tilespmem:$0x1580] =	vst v63  }
0x87: {  	_ =	swait.ge [sflag:s2], $0x200  }
0x88: {  	[sflag:s2] =	ssyncset.done $0x0  }
0x89: {  	[sflag:s2] =	ssyncadd.s32 $0xFFFFFE00  }
0x8a: {  	[bflag:$0x0] =	sbarrier.arrive $0xFFFF  }
0x8b: {  	[tilespmem:s16], [sflag:$0x2] =	stream.linear.gather [hbm4b:s15+s5], $0x80, $0x38;
	[tilespmem:$0x1580] =	vst v63  }
0x8c: {  	_ =	swait.ge [sflag:s2], $0x80  }
0x8d: {  	[sflag:s2] =	ssyncset.done $0x0  }
0x8e: {  	[sflag:s2] =	ssyncadd.s32 $0xFFFFFF80  }
0x8f: {  	[spmem:s3] =	stream.indirect.scatter.add.f32 [tilespmem:s17], [sflag:$0x2], $0x1, s16, s4, $0xb8;
	[tilespmem:$0x1580] =	vst v63  }
0x90: {  	_ =	swait.ge [sflag:s2], $0x80  }
0x91: {  	[sflag:s2] =	ssyncset.done $0x0  }
0x92: {  	[sflag:s2] =	ssyncadd.s32 $0xFFFFFF80  }
0x93: {  	[bflag:$0x0] =	sbarrier.arrive $0xFFFF  }
0x94: {  	[tilespmem:s13], [sflag:$0x2] =	stream.linear.gather [spmem:s11], $0x200, $0x38;
	[tilespmem:$0x1580] =	vst v63  }
0x95: {  	_ =	swait.ge [sflag:s2], $0x200  }
0x96: {  	[sflag:s2] =	ssyncset.done $0x0  }
0x97: {  	[sflag:s2] =	ssyncadd.s32 $0xFFFFFE00  }
0x98: {  	[hbm4b:s12+s4] =	stream.strided.scatter [tilespmem:s13], [sflag:$0x2], $0x200, s14, s4, $0x38;
	[tilespmem:$0x1580] =	vst v63  }
0x99: {  	_ =	swait.ge [sflag:s2], $0x200  }
0x9a: {  	[sflag:s2] =	ssyncset.done $0x0  }
0x9b: {  	[sflag:s2] =	ssyncadd.s32 $0xFFFFFE00  }
0x9c: {  	_ =	sfence.sel $0x180000  }
0x9d: {  	[bflag:$0x0] =	sbarrier.arrive $0xFFFF  }
0x9e: {  	p0 =	sne.s32 s0, $0x0;
	_ =	strace $0x90000047  }
0x9f: {  	s0 =	sadd.s32 @!p0 $0x100000, s1;
	[bflag:$0x2] =	sbarrier.arrive $0xFFFF  }
0xa0: {  	[sflag:s0] =	ssyncadd.tile.s32 @!p0 $0x1;
	_ =	shalt  }
.Lfunc_end2:
_tile_overlayer_lowered:
.L_overlay_start_2:
0xa1: {  	(tag) =	ssettag $0x2  }
0xa2: {  	s0 =	rddreg [dreg:$0x0];
	s2 =	stileid.u32  }
0xa3: {  	s1 =	rddreg [dreg:$0x1];
	p0 =	sne.s32 s2, $0x0  }
0xa4: {  	s3 =	rddreg [dreg:$0x2];
	[bflag:$0x3] =	sbarrier.arrive $0xFFFF;
	s2 =	simm.s32 @!p0 $0x1C02  }
0xa5: {  	[timem:s3], [sflag:s2] =	dma.local @!p0 [hbm:s0], s1  }
0xa6: {  	s0 =	simm.s32 @!p0 $0x2  }
0xa7: {  	_ =	swait.ge @!p0 [sflag:s0], s1  }
0xa8: {  	s1 =	ssub.s32 @!p0 $0x0, s1;
	[sflag:s0] =	ssyncset.done @!p0 $0x0  }
0xa9: {  	[sflag:s0] =	ssyncadd.s32 @!p0 s1  }
0xaa: {  	[bflag:$0x3] =	sbarrier.arrive $0xFFFF  }
0xab: {  	_ =	shalt  }

</sc_bundles>
